<compile_context>
chip_gen: v7x
topology: tpu7x:2x2x1
jax: 0.10.2.dev20260603
libtpu: 0.0.44.dev20260713+nightly
codegen_flags: <defaults>
</compile_context>

<pallas_src>
import functools

import jax
import jax.numpy as jnp
from jax import lax
from jax.experimental import pallas as pl
from jax.experimental.pallas import tpu as pltpu
from jax.experimental.pallas import tpu_sc as plsc

N0, N1, N2 = 10000, 5000, 2500
D_IN, D_HID, D_OUT = 256, 256, 128
E0, E1 = 160000, 80000

NC, NS = 2, 16
NW = NC * NS

N1P = 5024
N2P = 2560
D0A = 272
D1A = 144
CH0, NCH0 = 64, 80
CH1, NCH1 = 128, 20
BLK0 = 1256
BLK1 = 640


def _make_agg(n_tgt_pad, d, n_chunks, chunk):
    mesh = plsc.VectorSubcoreMesh(core_axis_name="c", subcore_axis_name="s")
    rz = n_tgt_pad // NS

    @functools.partial(
        pl.kernel,
        mesh=mesh,
        out_type=jax.ShapeDtypeStruct((NC, n_tgt_pad, d), jnp.float32),
        compiler_params=pltpu.CompilerParams(use_tc_tiling_on_sc=False),
        scratch_types=[
            pltpu.VMEM((n_chunks, chunk), jnp.int32),
            pltpu.VMEM((n_chunks, chunk), jnp.int32),
            pltpu.VMEM((chunk, d), jnp.float32),
            pltpu.VMEM((chunk, d), jnp.float32),
            pltpu.VMEM_SHARED((n_tgt_pad, d), jnp.float32),
            pltpu.SemaphoreType.DMA,
        ],
    )
    def agg(table, src, dst, zeros, sums, src_v, dst_v, rows0, rows1, sum_sh,
            sem):
        c = lax.axis_index("c")
        s = lax.axis_index("s")
        wid = c * NS + s
        pltpu.sync_copy(src.at[wid], src_v)
        pltpu.sync_copy(dst.at[wid], dst_v)
        pltpu.sync_copy(zeros.at[pl.ds(s * rz, rz)], sum_sh.at[pl.ds(s * rz, rz)])
        plsc.subcore_barrier()

        pltpu.async_copy(table.at[src_v.at[0]], rows0, sem)

        def pair_body(jj, carry):
            for parity, cur, nxt in ((0, rows0, rows1), (1, rows1, rows0)):
                j = 2 * jj + parity
                jn = (j + 1) % n_chunks
                pltpu.async_copy(table.at[src_v.at[jn]], nxt, sem)
                pltpu.make_async_copy(table.at[src_v.at[j]], cur, sem).wait()
                pltpu.sync_copy(cur, sum_sh.at[dst_v.at[j]], add=True)
            return carry

        lax.fori_loop(0, n_chunks // 2, pair_body, 0)
        pltpu.make_async_copy(table.at[src_v.at[0]], rows0, sem).wait()
        plsc.subcore_barrier()
        pltpu.sync_copy(sum_sh.at[pl.ds(s * rz, rz)], sums.at[c, pl.ds(s * rz, rz)])

    return agg


def _prep_edges(ei, n_chunks, chunk, n_src_mod, n_tgt, n_tgt_pad):
    e = ei.shape[1]
    e_pad = NW * n_chunks * chunk
    ar = jnp.arange(e_pad - e, dtype=jnp.int32)
    src = jnp.concatenate([ei[0].astype(jnp.int32), ar % n_src_mod])
    dst = jnp.concatenate([ei[1].astype(jnp.int32), n_tgt + ar % (n_tgt_pad - n_tgt)])
    return src.reshape(NW, n_chunks, chunk), dst.reshape(NW, n_chunks, chunk)


def _proj0_tc(x, wl):
    blk = BLK0
    grid = (N1P // blk,)

    def body(x_r, wl_r, xa_r):
        xa_r[:, :D_HID] = jnp.dot(x_r[:], wl_r[:],
                                  preferred_element_type=jnp.float32)
        xa_r[:, D_HID:D_HID + 1] = jnp.ones((blk, 1), jnp.float32)
        xa_r[:, D_HID + 1:] = jnp.zeros((blk, D0A - D_HID - 1), jnp.float32)

    return pl.pallas_call(
        body,
        grid=grid,
        in_specs=[
            pl.BlockSpec((blk, D_IN), lambda i: (i, 0)),
            pl.BlockSpec((D_IN, D_HID), lambda i: (0, 0)),
        ],
        out_specs=pl.BlockSpec((blk, D0A), lambda i: (i, 0)),
        out_shape=jax.ShapeDtypeStruct((N1P, D0A), jnp.float32),
    )(x, wl)


def _mid_tc(sums, x, wr0, bl0, wp):
    blk = BLK0
    grid = (N1P // blk,)

    def body(p_r, x_r, wr_r, bl_r, wp_r, xa_r, h_r):
        p = p_r[0] + p_r[1]
        cnt = jnp.maximum(p[:, D_HID:D_HID + 1], 1.0)
        mean = p[:, :D_HID] / cnt
        r0 = jnp.dot(x_r[:], wr_r[:], preferred_element_type=jnp.float32)
        h = jnp.maximum(mean + bl_r[:] + r0, 0.0)
        xa_r[:, :D_OUT] = jnp.dot(h, wp_r[:], preferred_element_type=jnp.float32)
        xa_r[:, D_OUT:D_OUT + 1] = jnp.ones((blk, 1), jnp.float32)
        xa_r[:, D_OUT + 1:] = jnp.zeros((blk, D1A - D_OUT - 1), jnp.float32)
        h_r[:] = h

    return pl.pallas_call(
        body,
        grid=grid,
        in_specs=[
            pl.BlockSpec((2, blk, D0A), lambda i: (0, i, 0)),
            pl.BlockSpec((blk, D_IN), lambda i: (i, 0)),
            pl.BlockSpec((D_IN, D_HID), lambda i: (0, 0)),
            pl.BlockSpec((1, D_HID), lambda i: (0, 0)),
            pl.BlockSpec((D_HID, D_OUT), lambda i: (0, 0)),
        ],
        out_specs=[
            pl.BlockSpec((blk, D1A), lambda i: (i, 0)),
            pl.BlockSpec((blk, D_HID), lambda i: (i, 0)),
        ],
        out_shape=[
            jax.ShapeDtypeStruct((N1P, D1A), jnp.float32),
            jax.ShapeDtypeStruct((N1P, D_HID), jnp.float32),
        ],
    )(sums, x, wr0, bl0, wp)


def _final_tc(sums, h, wr1, bl1):
    blk = BLK1
    grid = (N2P // blk,)

    def body(p_r, h_r, wr_r, bl_r, o_r):
        p = p_r[0] + p_r[1]
        cnt = jnp.maximum(p[:, D_OUT:D_OUT + 1], 1.0)
        mean = p[:, :D_OUT] / cnt
        z = mean + bl_r[:] + jnp.dot(h_r[:], wr_r[:],
                                     preferred_element_type=jnp.float32)
        z = z - jnp.max(z, axis=-1, keepdims=True)
        o_r[:] = z - jnp.log(jnp.sum(jnp.exp(z), axis=-1, keepdims=True))

    return pl.pallas_call(
        body,
        grid=grid,
        in_specs=[
            pl.BlockSpec((2, blk, D1A), lambda i: (0, i, 0)),
            pl.BlockSpec((blk, D_HID), lambda i: (i, 0)),
            pl.BlockSpec((D_HID, D_OUT), lambda i: (0, 0)),
            pl.BlockSpec((1, D_OUT), lambda i: (0, 0)),
        ],
        out_specs=pl.BlockSpec((blk, D_OUT), lambda i: (i, 0)),
        out_shape=jax.ShapeDtypeStruct((N2P, D_OUT), jnp.float32),
    )(sums, h, wr1, bl1)


def kernel(x, edge_index0, edge_index1, W_l0, b_l0, W_r0, W_l1, b_l1, W_r1):
    src0, dst0 = _prep_edges(edge_index0, NCH0, CH0, N1, N1, N1P)
    src1, dst1 = _prep_edges(edge_index1, NCH1, CH1, N2, N2, N2P)

    z0 = jnp.zeros((N1P, D0A), jnp.float32)
    z1 = jnp.zeros((N2P, D1A), jnp.float32)

    xa0 = _proj0_tc(x, W_l0.T)

    agg0 = _make_agg(N1P, D0A, NCH0, CH0)
    sums0 = agg0(xa0, src0, dst0, z0)

    xa1, h = _mid_tc(sums0, x, W_r0.T, b_l0.reshape(1, -1), W_l1.T)

    agg1 = _make_agg(N2P, D1A, NCH1, CH1)
    sums1 = agg1(xa1, src1, dst1, z1)

    out = _final_tc(sums1, h, W_r1.T, b_l1.reshape(1, -1))
    return out[:N2]

# --- scband reference (transcript-rebuilt; emitter-appended) ---
"""Pipeline reference for scband-sage-35785667510870 (READ-ONLY COPY).

The authoritative reference and input builder live on the scoring server;
editing this copy changes nothing except your own understanding.
"""

import jax, jax.numpy as jnp
import numpy as np

N0, N1, N2 = 10000, 5000, 2500
E0, E1 = 160000, 80000
D_IN, D_HID, D_OUT = 256, 256, 128


def setup_inputs(seed: int = 0):
    key = jax.random.key(seed)
    ks = jax.random.split(key, 8)
    x = jax.random.normal(ks[0], (N0, D_IN), dtype=jnp.float32)
    edge_index0 = jax.random.randint(ks[1], (2, E0), 0, N1)
    edge_index1 = jax.random.randint(ks[2], (2, E1), 0, N2)
    W_l0 = jax.random.normal(ks[3], (D_HID, D_IN), dtype=jnp.float32) / np.sqrt(D_IN)
    b_l0 = jnp.zeros((D_HID,), dtype=jnp.float32)
    W_r0 = jax.random.normal(ks[4], (D_HID, D_IN), dtype=jnp.float32) / np.sqrt(D_IN)
    W_l1 = jax.random.normal(ks[5], (D_OUT, D_HID), dtype=jnp.float32) / np.sqrt(D_HID)
    b_l1 = jnp.zeros((D_OUT,), dtype=jnp.float32)
    W_r1 = jax.random.normal(ks[6], (D_OUT, D_HID), dtype=jnp.float32) / np.sqrt(D_HID)
    return {"x": x, "edge_index0": edge_index0, "edge_index1": edge_index1,
            "W_l0": W_l0, "b_l0": b_l0, "W_r0": W_r0,
            "W_l1": W_l1, "b_l1": b_l1, "W_r1": W_r1}


def _sage_conv(x_src, x_tgt, edge_index, W_l, b_l, W_r, n_tgt):
    # PyG SAGEConv (bipartite, aggr='mean'):
    #   out = lin_l(mean_{j in N(i)} x_src[j]) + lin_r(x_tgt[i])
    src = edge_index[0]
    dst = edge_index[1]
    msg = jnp.take(x_src, src, axis=0)
    summed = jax.ops.segment_sum(msg, dst, num_segments=n_tgt)
    cnt = jax.ops.segment_sum(jnp.ones((dst.shape[0],), dtype=x_src.dtype), dst, num_segments=n_tgt)
    mean = summed / jnp.clip(cnt, 1.0)[:, None]
    return mean @ W_l.T + b_l + x_tgt @ W_r.T


def reference(x, edge_index0, edge_index1, W_l0, b_l0, W_r0, W_l1, b_l1, W_r1):
    # layer 0: targets are first N1 rows of x
    h = _sage_conv(x, x[:N1], edge_index0, W_l0, b_l0, W_r0, N1)
    h = jax.nn.relu(h)  # dropout p=0.0 -> identity
    # layer 1: targets are first N2 rows of h
    out = _sage_conv(h, h[:N2], edge_index1, W_l1, b_l1, W_r1, N2)
    return jax.nn.log_softmax(out, axis=-1)

if __name__ == "__main__":
    import jax
    _d = setup_inputs()
    print(jax.jit(kernel)(*tuple(_d.values())))

</pallas_src>

<mosaic_0001>
#map = affine_map<(d0, d1) -> (0, 0)>
#map1 = affine_map<(d0, d1) -> (0, 0, 0)>
module attributes {stable_mosaic.version = 14 : i64} {
  func.func @agg(%arg0: i32, %arg1: i32, %arg2: memref<5024x272xf32, #tpu.memory_space<hbm>>, %arg3: memref<32x80x64xi32, #tpu.memory_space<hbm>>, %arg4: memref<32x80x64xi32, #tpu.memory_space<hbm>>, %arg5: memref<5024x272xf32, #tpu.memory_space<hbm>>, %arg6: memref<2x5024x272xf32, #tpu.memory_space<hbm>>, %arg7: memref<80x64xi32, #tpu.memory_space<vmem>>, %arg8: memref<80x64xi32, #tpu.memory_space<vmem>>, %arg9: memref<64x272xf32, #tpu.memory_space<vmem>>, %arg10: memref<64x272xf32, #tpu.memory_space<vmem>>, %arg11: memref<5024x272xf32, #tpu.memory_space<vmem_shared>>, %arg12: memref<!tpu.dma_semaphore, #tpu.memory_space<semaphore_mem>>) attributes {dimension_semantics = [#tpu.dimension_semantics<core_parallel>, #tpu.dimension_semantics<subcore_parallel>], iteration_bounds = array<i64: 2, 16>, scalar_prefetch = 0 : i64, scratch_operands = 6 : i64, tpu.core_type = #tpu.core_type<sc_vector_subcore>, window_params = [{transform_indices = #map}, {transform_indices = #map1}, {transform_indices = #map1}, {transform_indices = #map}, {transform_indices = #map1}]} {
    %mul3A = arith.constant 16 : i32
    %mul3A_0 = arith.muli %arg0, %mul3A : i32
    %add3A = arith.addi %mul3A_0, %arg1 : i32
    "tpu.region"() ({
      %run_scoped3A = tpu.sem_alloc : memref<!tpu.dma_semaphore, #tpu.memory_space<semaphore_mem>>
      %dma_start3A_27 = arith.constant 0 : i32
      %dma_start3A_28 = arith.constant 0 : i32
      %dma_start3A_29 = tpu.memref_slice %arg3[%add3A, %dma_start3A_27, %dma_start3A_28] : memref<32x80x64xi32, #tpu.memory_space<hbm>> -> memref<1x80x64xi32, #tpu.memory_space<hbm>>
      %dma_start3A_30 = tpu.memref_squeeze %dma_start3A_29 : memref<1x80x64xi32, #tpu.memory_space<hbm>> -> memref<80x64xi32, #tpu.memory_space<hbm>>
      %dma_start3A_31 = arith.constant 0 : i32
      %dma_start3A_32 = arith.constant 0 : i32
      %dma_start3A_33 = tpu.memref_slice %arg3[%add3A, %dma_start3A_31, %dma_start3A_32] : memref<32x80x64xi32, #tpu.memory_space<hbm>> -> memref<1x80x64xi32, #tpu.memory_space<hbm>>
      %dma_start3A_34 = tpu.memref_squeeze %dma_start3A_33 : memref<1x80x64xi32, #tpu.memory_space<hbm>> -> memref<80x64xi32, #tpu.memory_space<hbm>>
      tpu.enqueue_dma source(%dma_start3A_34 : memref<80x64xi32, #tpu.memory_space<hbm>>) target(%arg7 : memref<80x64xi32, #tpu.memory_space<vmem>>) target_semaphore(%run_scoped3A : memref<!tpu.dma_semaphore, #tpu.memory_space<semaphore_mem>>)
      %dma_wait3A_35 = arith.constant 0 : i32
      %dma_wait3A_36 = arith.constant 0 : i32
      %dma_wait3A_37 = tpu.memref_slice %arg3[%add3A, %dma_wait3A_35, %dma_wait3A_36] : memref<32x80x64xi32, #tpu.memory_space<hbm>> -> memref<1x80x64xi32, #tpu.memory_space<hbm>>
      %dma_wait3A_38 = tpu.memref_squeeze %dma_wait3A_37 : memref<1x80x64xi32, #tpu.memory_space<hbm>> -> memref<80x64xi32, #tpu.memory_space<hbm>>
      %dma_wait3A_39 = arith.constant 0 : i32
      %dma_wait3A_40 = arith.constant 0 : i32
      %dma_wait3A_41 = tpu.memref_slice %arg3[%add3A, %dma_wait3A_39, %dma_wait3A_40] : memref<32x80x64xi32, #tpu.memory_space<hbm>> -> memref<1x80x64xi32, #tpu.memory_space<hbm>>
      %dma_wait3A_42 = tpu.memref_squeeze %dma_wait3A_41 : memref<1x80x64xi32, #tpu.memory_space<hbm>> -> memref<80x64xi32, #tpu.memory_space<hbm>>
      tpu.wait_dma2 semaphore(%run_scoped3A : memref<!tpu.dma_semaphore, #tpu.memory_space<semaphore_mem>>) src(%dma_wait3A_42 : memref<80x64xi32, #tpu.memory_space<hbm>>) dst(%arg7 : memref<80x64xi32, #tpu.memory_space<vmem>>)
      tpu.yield
    }) : () -> ()
    "tpu.region"() ({
      %run_scoped3A = tpu.sem_alloc : memref<!tpu.dma_semaphore, #tpu.memory_space<semaphore_mem>>
      %dma_start3A_27 = arith.constant 0 : i32
      %dma_start3A_28 = arith.constant 0 : i32
      %dma_start3A_29 = tpu.memref_slice %arg4[%add3A, %dma_start3A_27, %dma_start3A_28] : memref<32x80x64xi32, #tpu.memory_space<hbm>> -> memref<1x80x64xi32, #tpu.memory_space<hbm>>
      %dma_start3A_30 = tpu.memref_squeeze %dma_start3A_29 : memref<1x80x64xi32, #tpu.memory_space<hbm>> -> memref<80x64xi32, #tpu.memory_space<hbm>>
      %dma_start3A_31 = arith.constant 0 : i32
      %dma_start3A_32 = arith.constant 0 : i32
      %dma_start3A_33 = tpu.memref_slice %arg4[%add3A, %dma_start3A_31, %dma_start3A_32] : memref<32x80x64xi32, #tpu.memory_space<hbm>> -> memref<1x80x64xi32, #tpu.memory_space<hbm>>
      %dma_start3A_34 = tpu.memref_squeeze %dma_start3A_33 : memref<1x80x64xi32, #tpu.memory_space<hbm>> -> memref<80x64xi32, #tpu.memory_space<hbm>>
      tpu.enqueue_dma source(%dma_start3A_34 : memref<80x64xi32, #tpu.memory_space<hbm>>) target(%arg8 : memref<80x64xi32, #tpu.memory_space<vmem>>) target_semaphore(%run_scoped3A : memref<!tpu.dma_semaphore, #tpu.memory_space<semaphore_mem>>)
      %dma_wait3A_35 = arith.constant 0 : i32
      %dma_wait3A_36 = arith.constant 0 : i32
      %dma_wait3A_37 = tpu.memref_slice %arg4[%add3A, %dma_wait3A_35, %dma_wait3A_36] : memref<32x80x64xi32, #tpu.memory_space<hbm>> -> memref<1x80x64xi32, #tpu.memory_space<hbm>>
      %dma_wait3A_38 = tpu.memref_squeeze %dma_wait3A_37 : memref<1x80x64xi32, #tpu.memory_space<hbm>> -> memref<80x64xi32, #tpu.memory_space<hbm>>
      %dma_wait3A_39 = arith.constant 0 : i32
      %dma_wait3A_40 = arith.constant 0 : i32
      %dma_wait3A_41 = tpu.memref_slice %arg4[%add3A, %dma_wait3A_39, %dma_wait3A_40] : memref<32x80x64xi32, #tpu.memory_space<hbm>> -> memref<1x80x64xi32, #tpu.memory_space<hbm>>
      %dma_wait3A_42 = tpu.memref_squeeze %dma_wait3A_41 : memref<1x80x64xi32, #tpu.memory_space<hbm>> -> memref<80x64xi32, #tpu.memory_space<hbm>>
      tpu.wait_dma2 semaphore(%run_scoped3A : memref<!tpu.dma_semaphore, #tpu.memory_space<semaphore_mem>>) src(%dma_wait3A_42 : memref<80x64xi32, #tpu.memory_space<hbm>>) dst(%arg8 : memref<80x64xi32, #tpu.memory_space<vmem>>)
      tpu.yield
    }) : () -> ()
    %mul3A_1 = arith.constant 314 : i32
    %mul3A_2 = arith.muli %arg1, %mul3A_1 : i32
    %mul3A_3 = arith.constant 314 : i32
    %mul3A_4 = arith.muli %arg1, %mul3A_3 : i32
    "tpu.region"() ({
      %run_scoped3A = tpu.sem_alloc : memref<!tpu.dma_semaphore, #tpu.memory_space<semaphore_mem>>
      %dma_start3A_27 = arith.constant 0 : i32
      %dma_start3A_28 = tpu.memref_slice %arg11[%mul3A_4, %dma_start3A_27] : memref<5024x272xf32, #tpu.memory_space<vmem_shared>> -> memref<314x272xf32, #tpu.memory_space<vmem_shared>>
      %dma_start3A_29 = arith.constant 0 : i32
      %dma_start3A_30 = tpu.memref_slice %arg5[%mul3A_2, %dma_start3A_29] : memref<5024x272xf32, #tpu.memory_space<hbm>> -> memref<314x272xf32, #tpu.memory_space<hbm>>
      tpu.enqueue_dma source(%dma_start3A_30 : memref<314x272xf32, #tpu.memory_space<hbm>>) target(%dma_start3A_28 : memref<314x272xf32, #tpu.memory_space<vmem_shared>>) target_semaphore(%run_scoped3A : memref<!tpu.dma_semaphore, #tpu.memory_space<semaphore_mem>>)
      %dma_wait3A_31 = arith.constant 0 : i32
      %dma_wait3A_32 = tpu.memref_slice %arg11[%mul3A_4, %dma_wait3A_31] : memref<5024x272xf32, #tpu.memory_space<vmem_shared>> -> memref<314x272xf32, #tpu.memory_space<vmem_shared>>
      %dma_wait3A_33 = arith.constant 0 : i32
      %dma_wait3A_34 = tpu.memref_slice %arg5[%mul3A_2, %dma_wait3A_33] : memref<5024x272xf32, #tpu.memory_space<hbm>> -> memref<314x272xf32, #tpu.memory_space<hbm>>
      tpu.wait_dma2 semaphore(%run_scoped3A : memref<!tpu.dma_semaphore, #tpu.memory_space<semaphore_mem>>) src(%dma_wait3A_34 : memref<314x272xf32, #tpu.memory_space<hbm>>) dst(%dma_wait3A_32 : memref<314x272xf32, #tpu.memory_space<vmem_shared>>)
      tpu.yield
    }) : () -> ()
    %barrier3A = arith.constant 0 : index
    tpu.barrier barrier_id(%barrier3A)
    %dma_start3A = arith.constant 0 : i32
    %dma_start3A_5 = arith.constant 0 : i32
    %dma_start3A_6 = tpu.memref_slice %arg7[%dma_start3A, %dma_start3A_5] : memref<80x64xi32, #tpu.memory_space<vmem>> -> memref<1x64xi32, #tpu.memory_space<vmem>>
    %dma_start3A_7 = tpu.memref_squeeze %dma_start3A_6 : memref<1x64xi32, #tpu.memory_space<vmem>> -> memref<64xi32, #tpu.memory_space<vmem>>
    %dma_start3A_8 = arith.constant 0 : i32
    %dma_start3A_9 = arith.constant 0 : i32
    %dma_start3A_10 = tpu.memref_slice %arg2[%dma_start3A_8, %dma_start3A_9] : memref<5024x272xf32, #tpu.memory_space<hbm>> -> memref<5024x272xf32, #tpu.memory_space<hbm>>
    tpu.enqueue_indirect_dma source(%dma_start3A_10 : memref<5024x272xf32, #tpu.memory_space<hbm>>) target(%arg9 : memref<64x272xf32, #tpu.memory_space<vmem>>) offsets(%dma_start3A_7 : memref<64xi32, #tpu.memory_space<vmem>>) semaphore(%arg12 : memref<!tpu.dma_semaphore, #tpu.memory_space<semaphore_mem>>)
    %scan3A = arith.constant 0 : i32
    %scan3A_11 = arith.constant 0 : i32
    %scan3A_12 = arith.constant 40 : i32
    %scan3A_13 = arith.addi %scan3A_11, %scan3A_12 : i32
    %scan3A_14 = arith.constant 1 : i32
    scf.for %scan3A_27 = %scan3A_11 to %scan3A_13 step %scan3A_14  : i32 {
      %mul3A_28 = arith.constant 2 : i32
      %mul3A_29 = arith.muli %mul3A_28, %scan3A_27 : i32
      %add3A_30 = arith.constant 0 : i32
      %add3A_31 = arith.addi %mul3A_29, %add3A_30 : i32
      %add3A_32 = arith.constant 1 : i32
      %add3A_33 = arith.addi %add3A_31, %add3A_32 : i32
      %jit3A = arith.constant 80 : i32
      %eq3A = arith.constant 0 : i32
      %eq3A_34 = arith.cmpi eq, %jit3A, %eq3A : i32
      %jit3A_35 = arith.constant 1 : i32
      %select_n3A = arith.select %eq3A_34, %jit3A_35, %jit3A : i32
      %rem3A = arith.remsi %add3A_33, %select_n3A : i32
      %ne3A = arith.constant 0 : i32
      %ne3A_36 = arith.cmpi ne, %rem3A, %ne3A : i32
      %lt3A = arith.constant 0 : i32
      %lt3A_37 = arith.cmpi slt, %rem3A, %lt3A : i32
      %lt3A_38 = arith.constant 0 : i32
      %lt3A_39 = arith.cmpi slt, %select_n3A, %lt3A_38 : i32
      %ne3A_40 = arith.xori %lt3A_37, %lt3A_39 : i1
      %and3A = arith.andi %ne3A_40, %ne3A_36 : i1
      %add3A_41 = arith.addi %rem3A, %select_n3A : i32
      %select_n3A_42 = arith.select %and3A, %add3A_41, %rem3A : i32
      %dma_start3A_43 = arith.constant 0 : i32
      %dma_start3A_44 = tpu.memref_slice %arg7[%select_n3A_42, %dma_start3A_43] : memref<80x64xi32, #tpu.memory_space<vmem>> -> memref<1x64xi32, #tpu.memory_space<vmem>>
      %dma_start3A_45 = tpu.memref_squeeze %dma_start3A_44 : memref<1x64xi32, #tpu.memory_space<vmem>> -> memref<64xi32, #tpu.memory_space<vmem>>
      %dma_start3A_46 = arith.constant 0 : i32
      %dma_start3A_47 = arith.constant 0 : i32
      %dma_start3A_48 = tpu.memref_slice %arg2[%dma_start3A_46, %dma_start3A_47] : memref<5024x272xf32, #tpu.memory_space<hbm>> -> memref<5024x272xf32, #tpu.memory_space<hbm>>
      tpu.enqueue_indirect_dma source(%dma_start3A_48 : memref<5024x272xf32, #tpu.memory_space<hbm>>) target(%arg10 : memref<64x272xf32, #tpu.memory_space<vmem>>) offsets(%dma_start3A_45 : memref<64xi32, #tpu.memory_space<vmem>>) semaphore(%arg12 : memref<!tpu.dma_semaphore, #tpu.memory_space<semaphore_mem>>)
      %dma_wait3A_49 = arith.constant 0 : i32
      %dma_wait3A_50 = tpu.memref_slice %arg7[%add3A_31, %dma_wait3A_49] : memref<80x64xi32, #tpu.memory_space<vmem>> -> memref<1x64xi32, #tpu.memory_space<vmem>>
      %dma_wait3A_51 = tpu.memref_squeeze %dma_wait3A_50 : memref<1x64xi32, #tpu.memory_space<vmem>> -> memref<64xi32, #tpu.memory_space<vmem>>
      %dma_wait3A_52 = arith.constant 0 : i32
      %dma_wait3A_53 = arith.constant 0 : i32
      %dma_wait3A_54 = tpu.memref_slice %arg2[%dma_wait3A_52, %dma_wait3A_53] : memref<5024x272xf32, #tpu.memory_space<hbm>> -> memref<5024x272xf32, #tpu.memory_space<hbm>>
      tpu.wait_indirect_dma semaphore(%arg12 : memref<!tpu.dma_semaphore, #tpu.memory_space<semaphore_mem>>) src(%dma_wait3A_54 : memref<5024x272xf32, #tpu.memory_space<hbm>>) dst(%arg9 : memref<64x272xf32, #tpu.memory_space<vmem>>)
      "tpu.region"() ({
        %run_scoped3A = tpu.sem_alloc : memref<!tpu.dma_semaphore, #tpu.memory_space<semaphore_mem>>
        %dma_start3A_89 = arith.constant 0 : i32
        %dma_start3A_90 = tpu.memref_slice %arg8[%add3A_31, %dma_start3A_89] : memref<80x64xi32, #tpu.memory_space<vmem>> -> memref<1x64xi32, #tpu.memory_space<vmem>>
        %dma_start3A_91 = tpu.memref_squeeze %dma_start3A_90 : memref<1x64xi32, #tpu.memory_space<vmem>> -> memref<64xi32, #tpu.memory_space<vmem>>
        %dma_start3A_92 = arith.constant 0 : i32
        %dma_start3A_93 = arith.constant 0 : i32
        %dma_start3A_94 = tpu.memref_slice %arg11[%dma_start3A_92, %dma_start3A_93] : memref<5024x272xf32, #tpu.memory_space<vmem_shared>> -> memref<5024x272xf32, #tpu.memory_space<vmem_shared>>
        tpu.enqueue_indirect_dma source(%arg9 : memref<64x272xf32, #tpu.memory_space<vmem>>) target(%dma_start3A_94 : memref<5024x272xf32, #tpu.memory_space<vmem_shared>>) offsets(%dma_start3A_91 : memref<64xi32, #tpu.memory_space<vmem>>) semaphore(%run_scoped3A : memref<!tpu.dma_semaphore, #tpu.memory_space<semaphore_mem>>) {add = true}
        %dma_wait3A_95 = arith.constant 0 : i32
        %dma_wait3A_96 = tpu.memref_slice %arg8[%add3A_31, %dma_wait3A_95] : memref<80x64xi32, #tpu.memory_space<vmem>> -> memref<1x64xi32, #tpu.memory_space<vmem>>
        %dma_wait3A_97 = tpu.memref_squeeze %dma_wait3A_96 : memref<1x64xi32, #tpu.memory_space<vmem>> -> memref<64xi32, #tpu.memory_space<vmem>>
        %dma_wait3A_98 = arith.constant 0 : i32
        %dma_wait3A_99 = arith.constant 0 : i32
        %dma_wait3A_100 = tpu.memref_slice %arg11[%dma_wait3A_98, %dma_wait3A_99] : memref<5024x272xf32, #tpu.memory_space<vmem_shared>> -> memref<5024x272xf32, #tpu.memory_space<vmem_shared>>
        tpu.wait_indirect_dma semaphore(%run_scoped3A : memref<!tpu.dma_semaphore, #tpu.memory_space<semaphore_mem>>) src(%arg9 : memref<64x272xf32, #tpu.memory_space<vmem>>) dst(%dma_wait3A_100 : memref<5024x272xf32, #tpu.memory_space<vmem_shared>>)
        tpu.yield
      }) : () -> ()
      %mul3A_55 = arith.constant 2 : i32
      %mul3A_56 = arith.muli %mul3A_55, %scan3A_27 : i32
      %add3A_57 = arith.constant 1 : i32
      %add3A_58 = arith.addi %mul3A_56, %add3A_57 : i32
      %add3A_59 = arith.constant 1 : i32
      %add3A_60 = arith.addi %add3A_58, %add3A_59 : i32
      %jit3A_61 = arith.constant 80 : i32
      %eq3A_62 = arith.constant 0 : i32
      %eq3A_63 = arith.cmpi eq, %jit3A_61, %eq3A_62 : i32
      %jit3A_64 = arith.constant 1 : i32
      %select_n3A_65 = arith.select %eq3A_63, %jit3A_64, %jit3A_61 : i32
      %rem3A_66 = arith.remsi %add3A_60, %select_n3A_65 : i32
      %ne3A_67 = arith.constant 0 : i32
      %ne3A_68 = arith.cmpi ne, %rem3A_66, %ne3A_67 : i32
      %lt3A_69 = arith.constant 0 : i32
      %lt3A_70 = arith.cmpi slt, %rem3A_66, %lt3A_69 : i32
      %lt3A_71 = arith.constant 0 : i32
      %lt3A_72 = arith.cmpi slt, %select_n3A_65, %lt3A_71 : i32
      %ne3A_73 = arith.xori %lt3A_70, %lt3A_72 : i1
      %and3A_74 = arith.andi %ne3A_73, %ne3A_68 : i1
      %add3A_75 = arith.addi %rem3A_66, %select_n3A_65 : i32
      %select_n3A_76 = arith.select %and3A_74, %add3A_75, %rem3A_66 : i32
      %dma_start3A_77 = arith.constant 0 : i32
      %dma_start3A_78 = tpu.memref_slice %arg7[%select_n3A_76, %dma_start3A_77] : memref<80x64xi32, #tpu.memory_space<vmem>> -> memref<1x64xi32, #tpu.memory_space<vmem>>
      %dma_start3A_79 = tpu.memref_squeeze %dma_start3A_78 : memref<1x64xi32, #tpu.memory_space<vmem>> -> memref<64xi32, #tpu.memory_space<vmem>>
      %dma_start3A_80 = arith.constant 0 : i32
      %dma_start3A_81 = arith.constant 0 : i32
      %dma_start3A_82 = tpu.memref_slice %arg2[%dma_start3A_80, %dma_start3A_81] : memref<5024x272xf32, #tpu.memory_space<hbm>> -> memref<5024x272xf32, #tpu.memory_space<hbm>>
      tpu.enqueue_indirect_dma source(%dma_start3A_82 : memref<5024x272xf32, #tpu.memory_space<hbm>>) target(%arg9 : memref<64x272xf32, #tpu.memory_space<vmem>>) offsets(%dma_start3A_79 : memref<64xi32, #tpu.memory_space<vmem>>) semaphore(%arg12 : memref<!tpu.dma_semaphore, #tpu.memory_space<semaphore_mem>>)
      %dma_wait3A_83 = arith.constant 0 : i32
      %dma_wait3A_84 = tpu.memref_slice %arg7[%add3A_58, %dma_wait3A_83] : memref<80x64xi32, #tpu.memory_space<vmem>> -> memref<1x64xi32, #tpu.memory_space<vmem>>
      %dma_wait3A_85 = tpu.memref_squeeze %dma_wait3A_84 : memref<1x64xi32, #tpu.memory_space<vmem>> -> memref<64xi32, #tpu.memory_space<vmem>>
      %dma_wait3A_86 = arith.constant 0 : i32
      %dma_wait3A_87 = arith.constant 0 : i32
      %dma_wait3A_88 = tpu.memref_slice %arg2[%dma_wait3A_86, %dma_wait3A_87] : memref<5024x272xf32, #tpu.memory_space<hbm>> -> memref<5024x272xf32, #tpu.memory_space<hbm>>
      tpu.wait_indirect_dma semaphore(%arg12 : memref<!tpu.dma_semaphore, #tpu.memory_space<semaphore_mem>>) src(%dma_wait3A_88 : memref<5024x272xf32, #tpu.memory_space<hbm>>) dst(%arg10 : memref<64x272xf32, #tpu.memory_space<vmem>>)
      "tpu.region"() ({
        %run_scoped3A = tpu.sem_alloc : memref<!tpu.dma_semaphore, #tpu.memory_space<semaphore_mem>>
        %dma_start3A_89 = arith.constant 0 : i32
        %dma_start3A_90 = tpu.memref_slice %arg8[%add3A_58, %dma_start3A_89] : memref<80x64xi32, #tpu.memory_space<vmem>> -> memref<1x64xi32, #tpu.memory_space<vmem>>
        %dma_start3A_91 = tpu.memref_squeeze %dma_start3A_90 : memref<1x64xi32, #tpu.memory_space<vmem>> -> memref<64xi32, #tpu.memory_space<vmem>>
        %dma_start3A_92 = arith.constant 0 : i32
        %dma_start3A_93 = arith.constant 0 : i32
        %dma_start3A_94 = tpu.memref_slice %arg11[%dma_start3A_92, %dma_start3A_93] : memref<5024x272xf32, #tpu.memory_space<vmem_shared>> -> memref<5024x272xf32, #tpu.memory_space<vmem_shared>>
        tpu.enqueue_indirect_dma source(%arg10 : memref<64x272xf32, #tpu.memory_space<vmem>>) target(%dma_start3A_94 : memref<5024x272xf32, #tpu.memory_space<vmem_shared>>) offsets(%dma_start3A_91 : memref<64xi32, #tpu.memory_space<vmem>>) semaphore(%run_scoped3A : memref<!tpu.dma_semaphore, #tpu.memory_space<semaphore_mem>>) {add = true}
        %dma_wait3A_95 = arith.constant 0 : i32
        %dma_wait3A_96 = tpu.memref_slice %arg8[%add3A_58, %dma_wait3A_95] : memref<80x64xi32, #tpu.memory_space<vmem>> -> memref<1x64xi32, #tpu.memory_space<vmem>>
        %dma_wait3A_97 = tpu.memref_squeeze %dma_wait3A_96 : memref<1x64xi32, #tpu.memory_space<vmem>> -> memref<64xi32, #tpu.memory_space<vmem>>
        %dma_wait3A_98 = arith.constant 0 : i32
        %dma_wait3A_99 = arith.constant 0 : i32
        %dma_wait3A_100 = tpu.memref_slice %arg11[%dma_wait3A_98, %dma_wait3A_99] : memref<5024x272xf32, #tpu.memory_space<vmem_shared>> -> memref<5024x272xf32, #tpu.memory_space<vmem_shared>>
        tpu.wait_indirect_dma semaphore(%run_scoped3A : memref<!tpu.dma_semaphore, #tpu.memory_space<semaphore_mem>>) src(%arg10 : memref<64x272xf32, #tpu.memory_space<vmem>>) dst(%dma_wait3A_100 : memref<5024x272xf32, #tpu.memory_space<vmem_shared>>)
        tpu.yield
      }) : () -> ()
    }
    %scan3A_15 = arith.constant 40 : i32
    %dma_wait3A = arith.constant 0 : i32
    %dma_wait3A_16 = arith.constant 0 : i32
    %dma_wait3A_17 = tpu.memref_slice %arg7[%dma_wait3A, %dma_wait3A_16] : memref<80x64xi32, #tpu.memory_space<vmem>> -> memref<1x64xi32, #tpu.memory_space<vmem>>
    %dma_wait3A_18 = tpu.memref_squeeze %dma_wait3A_17 : memref<1x64xi32, #tpu.memory_space<vmem>> -> memref<64xi32, #tpu.memory_space<vmem>>
    %dma_wait3A_19 = arith.constant 0 : i32
    %dma_wait3A_20 = arith.constant 0 : i32
    %dma_wait3A_21 = tpu.memref_slice %arg2[%dma_wait3A_19, %dma_wait3A_20] : memref<5024x272xf32, #tpu.memory_space<hbm>> -> memref<5024x272xf32, #tpu.memory_space<hbm>>
    tpu.wait_indirect_dma semaphore(%arg12 : memref<!tpu.dma_semaphore, #tpu.memory_space<semaphore_mem>>) src(%dma_wait3A_21 : memref<5024x272xf32, #tpu.memory_space<hbm>>) dst(%arg9 : memref<64x272xf32, #tpu.memory_space<vmem>>)
    %barrier3A_22 = arith.constant 0 : index
    tpu.barrier barrier_id(%barrier3A_22)
    %mul3A_23 = arith.constant 314 : i32
    %mul3A_24 = arith.muli %arg1, %mul3A_23 : i32
    %mul3A_25 = arith.constant 314 : i32
    %mul3A_26 = arith.muli %arg1, %mul3A_25 : i32
    "tpu.region"() ({
      %run_scoped3A = tpu.sem_alloc : memref<!tpu.dma_semaphore, #tpu.memory_space<semaphore_mem>>
      %dma_start3A_27 = arith.constant 0 : i32
      %dma_start3A_28 = tpu.memref_slice %arg6[%arg0, %mul3A_26, %dma_start3A_27] : memref<2x5024x272xf32, #tpu.memory_space<hbm>> -> memref<1x314x272xf32, #tpu.memory_space<hbm>>
      %dma_start3A_29 = tpu.memref_squeeze %dma_start3A_28 : memref<1x314x272xf32, #tpu.memory_space<hbm>> -> memref<314x272xf32, #tpu.memory_space<hbm>>
      %dma_start3A_30 = arith.constant 0 : i32
      %dma_start3A_31 = tpu.memref_slice %arg11[%mul3A_24, %dma_start3A_30] : memref<5024x272xf32, #tpu.memory_space<vmem_shared>> -> memref<314x272xf32, #tpu.memory_space<vmem_shared>>
      tpu.enqueue_dma source(%dma_start3A_31 : memref<314x272xf32, #tpu.memory_space<vmem_shared>>) target(%dma_start3A_29 : memref<314x272xf32, #tpu.memory_space<hbm>>) target_semaphore(%run_scoped3A : memref<!tpu.dma_semaphore, #tpu.memory_space<semaphore_mem>>)
      %dma_wait3A_32 = arith.constant 0 : i32
      %dma_wait3A_33 = tpu.memref_slice %arg6[%arg0, %mul3A_26, %dma_wait3A_32] : memref<2x5024x272xf32, #tpu.memory_space<hbm>> -> memref<1x314x272xf32, #tpu.memory_space<hbm>>
      %dma_wait3A_34 = tpu.memref_squeeze %dma_wait3A_33 : memref<1x314x272xf32, #tpu.memory_space<hbm>> -> memref<314x272xf32, #tpu.memory_space<hbm>>
      %dma_wait3A_35 = arith.constant 0 : i32
      %dma_wait3A_36 = tpu.memref_slice %arg11[%mul3A_24, %dma_wait3A_35] : memref<5024x272xf32, #tpu.memory_space<vmem_shared>> -> memref<314x272xf32, #tpu.memory_space<vmem_shared>>
      tpu.wait_dma2 semaphore(%run_scoped3A : memref<!tpu.dma_semaphore, #tpu.memory_space<semaphore_mem>>) src(%dma_wait3A_36 : memref<314x272xf32, #tpu.memory_space<vmem_shared>>) dst(%dma_wait3A_34 : memref<314x272xf32, #tpu.memory_space<hbm>>)
      tpu.yield
    }) : () -> ()
    return
  }
}

#map = affine_map<(d0, d1) -> (0, 0)>
#map1 = affine_map<(d0, d1) -> (0, 0, 0)>
module attributes {stable_mosaic.version = 14 : i64} {
  func.func @agg(%arg0: i32, %arg1: i32, %arg2: memref<5024x144xf32, #tpu.memory_space<hbm>>, %arg3: memref<32x20x128xi32, #tpu.memory_space<hbm>>, %arg4: memref<32x20x128xi32, #tpu.memory_space<hbm>>, %arg5: memref<2560x144xf32, #tpu.memory_space<hbm>>, %arg6: memref<2x2560x144xf32, #tpu.memory_space<hbm>>, %arg7: memref<20x128xi32, #tpu.memory_space<vmem>>, %arg8: memref<20x128xi32, #tpu.memory_space<vmem>>, %arg9: memref<128x144xf32, #tpu.memory_space<vmem>>, %arg10: memref<128x144xf32, #tpu.memory_space<vmem>>, %arg11: memref<2560x144xf32, #tpu.memory_space<vmem_shared>>, %arg12: memref<!tpu.dma_semaphore, #tpu.memory_space<semaphore_mem>>) attributes {dimension_semantics = [#tpu.dimension_semantics<core_parallel>, #tpu.dimension_semantics<subcore_parallel>], iteration_bounds = array<i64: 2, 16>, scalar_prefetch = 0 : i64, scratch_operands = 6 : i64, tpu.core_type = #tpu.core_type<sc_vector_subcore>, window_params = [{transform_indices = #map}, {transform_indices = #map1}, {transform_indices = #map1}, {transform_indices = #map}, {transform_indices = #map1}]} {
    %mul3A = arith.constant 16 : i32
    %mul3A_0 = arith.muli %arg0, %mul3A : i32
    %add3A = arith.addi %mul3A_0, %arg1 : i32
    "tpu.region"() ({
      %run_scoped3A = tpu.sem_alloc : memref<!tpu.dma_semaphore, #tpu.memory_space<semaphore_mem>>
      %dma_start3A_27 = arith.constant 0 : i32
      %dma_start3A_28 = arith.constant 0 : i32
      %dma_start3A_29 = tpu.memref_slice %arg3[%add3A, %dma_start3A_27, %dma_start3A_28] : memref<32x20x128xi32, #tpu.memory_space<hbm>> -> memref<1x20x128xi32, #tpu.memory_space<hbm>>
      %dma_start3A_30 = tpu.memref_squeeze %dma_start3A_29 : memref<1x20x128xi32, #tpu.memory_space<hbm>> -> memref<20x128xi32, #tpu.memory_space<hbm>>
      %dma_start3A_31 = arith.constant 0 : i32
      %dma_start3A_32 = arith.constant 0 : i32
      %dma_start3A_33 = tpu.memref_slice %arg3[%add3A, %dma_start3A_31, %dma_start3A_32] : memref<32x20x128xi32, #tpu.memory_space<hbm>> -> memref<1x20x128xi32, #tpu.memory_space<hbm>>
      %dma_start3A_34 = tpu.memref_squeeze %dma_start3A_33 : memref<1x20x128xi32, #tpu.memory_space<hbm>> -> memref<20x128xi32, #tpu.memory_space<hbm>>
      tpu.enqueue_dma source(%dma_start3A_34 : memref<20x128xi32, #tpu.memory_space<hbm>>) target(%arg7 : memref<20x128xi32, #tpu.memory_space<vmem>>) target_semaphore(%run_scoped3A : memref<!tpu.dma_semaphore, #tpu.memory_space<semaphore_mem>>)
      %dma_wait3A_35 = arith.constant 0 : i32
      %dma_wait3A_36 = arith.constant 0 : i32
      %dma_wait3A_37 = tpu.memref_slice %arg3[%add3A, %dma_wait3A_35, %dma_wait3A_36] : memref<32x20x128xi32, #tpu.memory_space<hbm>> -> memref<1x20x128xi32, #tpu.memory_space<hbm>>
      %dma_wait3A_38 = tpu.memref_squeeze %dma_wait3A_37 : memref<1x20x128xi32, #tpu.memory_space<hbm>> -> memref<20x128xi32, #tpu.memory_space<hbm>>
      %dma_wait3A_39 = arith.constant 0 : i32
      %dma_wait3A_40 = arith.constant 0 : i32
      %dma_wait3A_41 = tpu.memref_slice %arg3[%add3A, %dma_wait3A_39, %dma_wait3A_40] : memref<32x20x128xi32, #tpu.memory_space<hbm>> -> memref<1x20x128xi32, #tpu.memory_space<hbm>>
      %dma_wait3A_42 = tpu.memref_squeeze %dma_wait3A_41 : memref<1x20x128xi32, #tpu.memory_space<hbm>> -> memref<20x128xi32, #tpu.memory_space<hbm>>
      tpu.wait_dma2 semaphore(%run_scoped3A : memref<!tpu.dma_semaphore, #tpu.memory_space<semaphore_mem>>) src(%dma_wait3A_42 : memref<20x128xi32, #tpu.memory_space<hbm>>) dst(%arg7 : memref<20x128xi32, #tpu.memory_space<vmem>>)
      tpu.yield
    }) : () -> ()
    "tpu.region"() ({
      %run_scoped3A = tpu.sem_alloc : memref<!tpu.dma_semaphore, #tpu.memory_space<semaphore_mem>>
      %dma_start3A_27 = arith.constant 0 : i32
      %dma_start3A_28 = arith.constant 0 : i32
      %dma_start3A_29 = tpu.memref_slice %arg4[%add3A, %dma_start3A_27, %dma_start3A_28] : memref<32x20x128xi32, #tpu.memory_space<hbm>> -> memref<1x20x128xi32, #tpu.memory_space<hbm>>
      %dma_start3A_30 = tpu.memref_squeeze %dma_start3A_29 : memref<1x20x128xi32, #tpu.memory_space<hbm>> -> memref<20x128xi32, #tpu.memory_space<hbm>>
      %dma_start3A_31 = arith.constant 0 : i32
      %dma_start3A_32 = arith.constant 0 : i32
      %dma_start3A_33 = tpu.memref_slice %arg4[%add3A, %dma_start3A_31, %dma_start3A_32] : memref<32x20x128xi32, #tpu.memory_space<hbm>> -> memref<1x20x128xi32, #tpu.memory_space<hbm>>
      %dma_start3A_34 = tpu.memref_squeeze %dma_start3A_33 : memref<1x20x128xi32, #tpu.memory_space<hbm>> -> memref<20x128xi32, #tpu.memory_space<hbm>>
      tpu.enqueue_dma source(%dma_start3A_34 : memref<20x128xi32, #tpu.memory_space<hbm>>) target(%arg8 : memref<20x128xi32, #tpu.memory_space<vmem>>) target_semaphore(%run_scoped3A : memref<!tpu.dma_semaphore, #tpu.memory_space<semaphore_mem>>)
      %dma_wait3A_35 = arith.constant 0 : i32
      %dma_wait3A_36 = arith.constant 0 : i32
      %dma_wait3A_37 = tpu.memref_slice %arg4[%add3A, %dma_wait3A_35, %dma_wait3A_36] : memref<32x20x128xi32, #tpu.memory_space<hbm>> -> memref<1x20x128xi32, #tpu.memory_space<hbm>>
      %dma_wait3A_38 = tpu.memref_squeeze %dma_wait3A_37 : memref<1x20x128xi32, #tpu.memory_space<hbm>> -> memref<20x128xi32, #tpu.memory_space<hbm>>
      %dma_wait3A_39 = arith.constant 0 : i32
      %dma_wait3A_40 = arith.constant 0 : i32
      %dma_wait3A_41 = tpu.memref_slice %arg4[%add3A, %dma_wait3A_39, %dma_wait3A_40] : memref<32x20x128xi32, #tpu.memory_space<hbm>> -> memref<1x20x128xi32, #tpu.memory_space<hbm>>
      %dma_wait3A_42 = tpu.memref_squeeze %dma_wait3A_41 : memref<1x20x128xi32, #tpu.memory_space<hbm>> -> memref<20x128xi32, #tpu.memory_space<hbm>>
      tpu.wait_dma2 semaphore(%run_scoped3A : memref<!tpu.dma_semaphore, #tpu.memory_space<semaphore_mem>>) src(%dma_wait3A_42 : memref<20x128xi32, #tpu.memory_space<hbm>>) dst(%arg8 : memref<20x128xi32, #tpu.memory_space<vmem>>)
      tpu.yield
    }) : () -> ()
    %mul3A_1 = arith.constant 160 : i32
    %mul3A_2 = arith.muli %arg1, %mul3A_1 : i32
    %mul3A_3 = arith.constant 160 : i32
    %mul3A_4 = arith.muli %arg1, %mul3A_3 : i32
    "tpu.region"() ({
      %run_scoped3A = tpu.sem_alloc : memref<!tpu.dma_semaphore, #tpu.memory_space<semaphore_mem>>
      %dma_start3A_27 = arith.constant 0 : i32
      %dma_start3A_28 = tpu.memref_slice %arg11[%mul3A_4, %dma_start3A_27] : memref<2560x144xf32, #tpu.memory_space<vmem_shared>> -> memref<160x144xf32, #tpu.memory_space<vmem_shared>>
      %dma_start3A_29 = arith.constant 0 : i32
      %dma_start3A_30 = tpu.memref_slice %arg5[%mul3A_2, %dma_start3A_29] : memref<2560x144xf32, #tpu.memory_space<hbm>> -> memref<160x144xf32, #tpu.memory_space<hbm>>
      tpu.enqueue_dma source(%dma_start3A_30 : memref<160x144xf32, #tpu.memory_space<hbm>>) target(%dma_start3A_28 : memref<160x144xf32, #tpu.memory_space<vmem_shared>>) target_semaphore(%run_scoped3A : memref<!tpu.dma_semaphore, #tpu.memory_space<semaphore_mem>>)
      %dma_wait3A_31 = arith.constant 0 : i32
      %dma_wait3A_32 = tpu.memref_slice %arg11[%mul3A_4, %dma_wait3A_31] : memref<2560x144xf32, #tpu.memory_space<vmem_shared>> -> memref<160x144xf32, #tpu.memory_space<vmem_shared>>
      %dma_wait3A_33 = arith.constant 0 : i32
      %dma_wait3A_34 = tpu.memref_slice %arg5[%mul3A_2, %dma_wait3A_33] : memref<2560x144xf32, #tpu.memory_space<hbm>> -> memref<160x144xf32, #tpu.memory_space<hbm>>
      tpu.wait_dma2 semaphore(%run_scoped3A : memref<!tpu.dma_semaphore, #tpu.memory_space<semaphore_mem>>) src(%dma_wait3A_34 : memref<160x144xf32, #tpu.memory_space<hbm>>) dst(%dma_wait3A_32 : memref<160x144xf32, #tpu.memory_space<vmem_shared>>)
      tpu.yield
    }) : () -> ()
    %barrier3A = arith.constant 0 : index
    tpu.barrier barrier_id(%barrier3A)
    %dma_start3A = arith.constant 0 : i32
    %dma_start3A_5 = arith.constant 0 : i32
    %dma_start3A_6 = tpu.memref_slice %arg7[%dma_start3A, %dma_start3A_5] : memref<20x128xi32, #tpu.memory_space<vmem>> -> memref<1x128xi32, #tpu.memory_space<vmem>>
    %dma_start3A_7 = tpu.memref_squeeze %dma_start3A_6 : memref<1x128xi32, #tpu.memory_space<vmem>> -> memref<128xi32, #tpu.memory_space<vmem>>
    %dma_start3A_8 = arith.constant 0 : i32
    %dma_start3A_9 = arith.constant 0 : i32
    %dma_start3A_10 = tpu.memref_slice %arg2[%dma_start3A_8, %dma_start3A_9] : memref<5024x144xf32, #tpu.memory_space<hbm>> -> memref<5024x144xf32, #tpu.memory_space<hbm>>
    tpu.enqueue_indirect_dma source(%dma_start3A_10 : memref<5024x144xf32, #tpu.memory_space<hbm>>) target(%arg9 : memref<128x144xf32, #tpu.memory_space<vmem>>) offsets(%dma_start3A_7 : memref<128xi32, #tpu.memory_space<vmem>>) semaphore(%arg12 : memref<!tpu.dma_semaphore, #tpu.memory_space<semaphore_mem>>)
    %scan3A = arith.constant 0 : i32
    %scan3A_11 = arith.constant 0 : i32
    %scan3A_12 = arith.constant 10 : i32
    %scan3A_13 = arith.addi %scan3A_11, %scan3A_12 : i32
    %scan3A_14 = arith.constant 1 : i32
    scf.for %scan3A_27 = %scan3A_11 to %scan3A_13 step %scan3A_14  : i32 {
      %mul3A_28 = arith.constant 2 : i32
      %mul3A_29 = arith.muli %mul3A_28, %scan3A_27 : i32
      %add3A_30 = arith.constant 0 : i32
      %add3A_31 = arith.addi %mul3A_29, %add3A_30 : i32
      %add3A_32 = arith.constant 1 : i32
      %add3A_33 = arith.addi %add3A_31, %add3A_32 : i32
      %jit3A = arith.constant 20 : i32
      %eq3A = arith.constant 0 : i32
      %eq3A_34 = arith.cmpi eq, %jit3A, %eq3A : i32
      %jit3A_35 = arith.constant 1 : i32
      %select_n3A = arith.select %eq3A_34, %jit3A_35, %jit3A : i32
      %rem3A = arith.remsi %add3A_33, %select_n3A : i32
      %ne3A = arith.constant 0 : i32
      %ne3A_36 = arith.cmpi ne, %rem3A, %ne3A : i32
      %lt3A = arith.constant 0 : i32
      %lt3A_37 = arith.cmpi slt, %rem3A, %lt3A : i32
      %lt3A_38 = arith.constant 0 : i32
      %lt3A_39 = arith.cmpi slt, %select_n3A, %lt3A_38 : i32
      %ne3A_40 = arith.xori %lt3A_37, %lt3A_39 : i1
      %and3A = arith.andi %ne3A_40, %ne3A_36 : i1
      %add3A_41 = arith.addi %rem3A, %select_n3A : i32
      %select_n3A_42 = arith.select %and3A, %add3A_41, %rem3A : i32
      %dma_start3A_43 = arith.constant 0 : i32
      %dma_start3A_44 = tpu.memref_slice %arg7[%select_n3A_42, %dma_start3A_43] : memref<20x128xi32, #tpu.memory_space<vmem>> -> memref<1x128xi32, #tpu.memory_space<vmem>>
      %dma_start3A_45 = tpu.memref_squeeze %dma_start3A_44 : memref<1x128xi32, #tpu.memory_space<vmem>> -> memref<128xi32, #tpu.memory_space<vmem>>
      %dma_start3A_46 = arith.constant 0 : i32
      %dma_start3A_47 = arith.constant 0 : i32
      %dma_start3A_48 = tpu.memref_slice %arg2[%dma_start3A_46, %dma_start3A_47] : memref<5024x144xf32, #tpu.memory_space<hbm>> -> memref<5024x144xf32, #tpu.memory_space<hbm>>
      tpu.enqueue_indirect_dma source(%dma_start3A_48 : memref<5024x144xf32, #tpu.memory_space<hbm>>) target(%arg10 : memref<128x144xf32, #tpu.memory_space<vmem>>) offsets(%dma_start3A_45 : memref<128xi32, #tpu.memory_space<vmem>>) semaphore(%arg12 : memref<!tpu.dma_semaphore, #tpu.memory_space<semaphore_mem>>)
      %dma_wait3A_49 = arith.constant 0 : i32
      %dma_wait3A_50 = tpu.memref_slice %arg7[%add3A_31, %dma_wait3A_49] : memref<20x128xi32, #tpu.memory_space<vmem>> -> memref<1x128xi32, #tpu.memory_space<vmem>>
      %dma_wait3A_51 = tpu.memref_squeeze %dma_wait3A_50 : memref<1x128xi32, #tpu.memory_space<vmem>> -> memref<128xi32, #tpu.memory_space<vmem>>
      %dma_wait3A_52 = arith.constant 0 : i32
      %dma_wait3A_53 = arith.constant 0 : i32
      %dma_wait3A_54 = tpu.memref_slice %arg2[%dma_wait3A_52, %dma_wait3A_53] : memref<5024x144xf32, #tpu.memory_space<hbm>> -> memref<5024x144xf32, #tpu.memory_space<hbm>>
      tpu.wait_indirect_dma semaphore(%arg12 : memref<!tpu.dma_semaphore, #tpu.memory_space<semaphore_mem>>) src(%dma_wait3A_54 : memref<5024x144xf32, #tpu.memory_space<hbm>>) dst(%arg9 : memref<128x144xf32, #tpu.memory_space<vmem>>)
      "tpu.region"() ({
        %run_scoped3A = tpu.sem_alloc : memref<!tpu.dma_semaphore, #tpu.memory_space<semaphore_mem>>
        %dma_start3A_89 = arith.constant 0 : i32
        %dma_start3A_90 = tpu.memref_slice %arg8[%add3A_31, %dma_start3A_89] : memref<20x128xi32, #tpu.memory_space<vmem>> -> memref<1x128xi32, #tpu.memory_space<vmem>>
        %dma_start3A_91 = tpu.memref_squeeze %dma_start3A_90 : memref<1x128xi32, #tpu.memory_space<vmem>> -> memref<128xi32, #tpu.memory_space<vmem>>
        %dma_start3A_92 = arith.constant 0 : i32
        %dma_start3A_93 = arith.constant 0 : i32
        %dma_start3A_94 = tpu.memref_slice %arg11[%dma_start3A_92, %dma_start3A_93] : memref<2560x144xf32, #tpu.memory_space<vmem_shared>> -> memref<2560x144xf32, #tpu.memory_space<vmem_shared>>
        tpu.enqueue_indirect_dma source(%arg9 : memref<128x144xf32, #tpu.memory_space<vmem>>) target(%dma_start3A_94 : memref<2560x144xf32, #tpu.memory_space<vmem_shared>>) offsets(%dma_start3A_91 : memref<128xi32, #tpu.memory_space<vmem>>) semaphore(%run_scoped3A : memref<!tpu.dma_semaphore, #tpu.memory_space<semaphore_mem>>) {add = true}
        %dma_wait3A_95 = arith.constant 0 : i32
        %dma_wait3A_96 = tpu.memref_slice %arg8[%add3A_31, %dma_wait3A_95] : memref<20x128xi32, #tpu.memory_space<vmem>> -> memref<1x128xi32, #tpu.memory_space<vmem>>
        %dma_wait3A_97 = tpu.memref_squeeze %dma_wait3A_96 : memref<1x128xi32, #tpu.memory_space<vmem>> -> memref<128xi32, #tpu.memory_space<vmem>>
        %dma_wait3A_98 = arith.constant 0 : i32
        %dma_wait3A_99 = arith.constant 0 : i32
        %dma_wait3A_100 = tpu.memref_slice %arg11[%dma_wait3A_98, %dma_wait3A_99] : memref<2560x144xf32, #tpu.memory_space<vmem_shared>> -> memref<2560x144xf32, #tpu.memory_space<vmem_shared>>
        tpu.wait_indirect_dma semaphore(%run_scoped3A : memref<!tpu.dma_semaphore, #tpu.memory_space<semaphore_mem>>) src(%arg9 : memref<128x144xf32, #tpu.memory_space<vmem>>) dst(%dma_wait3A_100 : memref<2560x144xf32, #tpu.memory_space<vmem_shared>>)
        tpu.yield
      }) : () -> ()
      %mul3A_55 = arith.constant 2 : i32
      %mul3A_56 = arith.muli %mul3A_55, %scan3A_27 : i32
      %add3A_57 = arith.constant 1 : i32
      %add3A_58 = arith.addi %mul3A_56, %add3A_57 : i32
      %add3A_59 = arith.constant 1 : i32
      %add3A_60 = arith.addi %add3A_58, %add3A_59 : i32
      %jit3A_61 = arith.constant 20 : i32
      %eq3A_62 = arith.constant 0 : i32
      %eq3A_63 = arith.cmpi eq, %jit3A_61, %eq3A_62 : i32
      %jit3A_64 = arith.constant 1 : i32
      %select_n3A_65 = arith.select %eq3A_63, %jit3A_64, %jit3A_61 : i32
      %rem3A_66 = arith.remsi %add3A_60, %select_n3A_65 : i32
      %ne3A_67 = arith.constant 0 : i32
      %ne3A_68 = arith.cmpi ne, %rem3A_66, %ne3A_67 : i32
      %lt3A_69 = arith.constant 0 : i32
      %lt3A_70 = arith.cmpi slt, %rem3A_66, %lt3A_69 : i32
      %lt3A_71 = arith.constant 0 : i32
      %lt3A_72 = arith.cmpi slt, %select_n3A_65, %lt3A_71 : i32
      %ne3A_73 = arith.xori %lt3A_70, %lt3A_72 : i1
      %and3A_74 = arith.andi %ne3A_73, %ne3A_68 : i1
      %add3A_75 = arith.addi %rem3A_66, %select_n3A_65 : i32
      %select_n3A_76 = arith.select %and3A_74, %add3A_75, %rem3A_66 : i32
      %dma_start3A_77 = arith.constant 0 : i32
      %dma_start3A_78 = tpu.memref_slice %arg7[%select_n3A_76, %dma_start3A_77] : memref<20x128xi32, #tpu.memory_space<vmem>> -> memref<1x128xi32, #tpu.memory_space<vmem>>
      %dma_start3A_79 = tpu.memref_squeeze %dma_start3A_78 : memref<1x128xi32, #tpu.memory_space<vmem>> -> memref<128xi32, #tpu.memory_space<vmem>>
      %dma_start3A_80 = arith.constant 0 : i32
      %dma_start3A_81 = arith.constant 0 : i32
      %dma_start3A_82 = tpu.memref_slice %arg2[%dma_start3A_80, %dma_start3A_81] : memref<5024x144xf32, #tpu.memory_space<hbm>> -> memref<5024x144xf32, #tpu.memory_space<hbm>>
      tpu.enqueue_indirect_dma source(%dma_start3A_82 : memref<5024x144xf32, #tpu.memory_space<hbm>>) target(%arg9 : memref<128x144xf32, #tpu.memory_space<vmem>>) offsets(%dma_start3A_79 : memref<128xi32, #tpu.memory_space<vmem>>) semaphore(%arg12 : memref<!tpu.dma_semaphore, #tpu.memory_space<semaphore_mem>>)
      %dma_wait3A_83 = arith.constant 0 : i32
      %dma_wait3A_84 = tpu.memref_slice %arg7[%add3A_58, %dma_wait3A_83] : memref<20x128xi32, #tpu.memory_space<vmem>> -> memref<1x128xi32, #tpu.memory_space<vmem>>
      %dma_wait3A_85 = tpu.memref_squeeze %dma_wait3A_84 : memref<1x128xi32, #tpu.memory_space<vmem>> -> memref<128xi32, #tpu.memory_space<vmem>>
      %dma_wait3A_86 = arith.constant 0 : i32
      %dma_wait3A_87 = arith.constant 0 : i32
      %dma_wait3A_88 = tpu.memref_slice %arg2[%dma_wait3A_86, %dma_wait3A_87] : memref<5024x144xf32, #tpu.memory_space<hbm>> -> memref<5024x144xf32, #tpu.memory_space<hbm>>
      tpu.wait_indirect_dma semaphore(%arg12 : memref<!tpu.dma_semaphore, #tpu.memory_space<semaphore_mem>>) src(%dma_wait3A_88 : memref<5024x144xf32, #tpu.memory_space<hbm>>) dst(%arg10 : memref<128x144xf32, #tpu.memory_space<vmem>>)
      "tpu.region"() ({
        %run_scoped3A = tpu.sem_alloc : memref<!tpu.dma_semaphore, #tpu.memory_space<semaphore_mem>>
        %dma_start3A_89 = arith.constant 0 : i32
        %dma_start3A_90 = tpu.memref_slice %arg8[%add3A_58, %dma_start3A_89] : memref<20x128xi32, #tpu.memory_space<vmem>> -> memref<1x128xi32, #tpu.memory_space<vmem>>
        %dma_start3A_91 = tpu.memref_squeeze %dma_start3A_90 : memref<1x128xi32, #tpu.memory_space<vmem>> -> memref<128xi32, #tpu.memory_space<vmem>>
        %dma_start3A_92 = arith.constant 0 : i32
        %dma_start3A_93 = arith.constant 0 : i32
        %dma_start3A_94 = tpu.memref_slice %arg11[%dma_start3A_92, %dma_start3A_93] : memref<2560x144xf32, #tpu.memory_space<vmem_shared>> -> memref<2560x144xf32, #tpu.memory_space<vmem_shared>>
        tpu.enqueue_indirect_dma source(%arg10 : memref<128x144xf32, #tpu.memory_space<vmem>>) target(%dma_start3A_94 : memref<2560x144xf32, #tpu.memory_space<vmem_shared>>) offsets(%dma_start3A_91 : memref<128xi32, #tpu.memory_space<vmem>>) semaphore(%run_scoped3A : memref<!tpu.dma_semaphore, #tpu.memory_space<semaphore_mem>>) {add = true}
        %dma_wait3A_95 = arith.constant 0 : i32
        %dma_wait3A_96 = tpu.memref_slice %arg8[%add3A_58, %dma_wait3A_95] : memref<20x128xi32, #tpu.memory_space<vmem>> -> memref<1x128xi32, #tpu.memory_space<vmem>>
        %dma_wait3A_97 = tpu.memref_squeeze %dma_wait3A_96 : memref<1x128xi32, #tpu.memory_space<vmem>> -> memref<128xi32, #tpu.memory_space<vmem>>
        %dma_wait3A_98 = arith.constant 0 : i32
        %dma_wait3A_99 = arith.constant 0 : i32
        %dma_wait3A_100 = tpu.memref_slice %arg11[%dma_wait3A_98, %dma_wait3A_99] : memref<2560x144xf32, #tpu.memory_space<vmem_shared>> -> memref<2560x144xf32, #tpu.memory_space<vmem_shared>>
        tpu.wait_indirect_dma semaphore(%run_scoped3A : memref<!tpu.dma_semaphore, #tpu.memory_space<semaphore_mem>>) src(%arg10 : memref<128x144xf32, #tpu.memory_space<vmem>>) dst(%dma_wait3A_100 : memref<2560x144xf32, #tpu.memory_space<vmem_shared>>)
        tpu.yield
      }) : () -> ()
    }
    %scan3A_15 = arith.constant 10 : i32
    %dma_wait3A = arith.constant 0 : i32
    %dma_wait3A_16 = arith.constant 0 : i32
    %dma_wait3A_17 = tpu.memref_slice %arg7[%dma_wait3A, %dma_wait3A_16] : memref<20x128xi32, #tpu.memory_space<vmem>> -> memref<1x128xi32, #tpu.memory_space<vmem>>
    %dma_wait3A_18 = tpu.memref_squeeze %dma_wait3A_17 : memref<1x128xi32, #tpu.memory_space<vmem>> -> memref<128xi32, #tpu.memory_space<vmem>>
    %dma_wait3A_19 = arith.constant 0 : i32
    %dma_wait3A_20 = arith.constant 0 : i32
    %dma_wait3A_21 = tpu.memref_slice %arg2[%dma_wait3A_19, %dma_wait3A_20] : memref<5024x144xf32, #tpu.memory_space<hbm>> -> memref<5024x144xf32, #tpu.memory_space<hbm>>
    tpu.wait_indirect_dma semaphore(%arg12 : memref<!tpu.dma_semaphore, #tpu.memory_space<semaphore_mem>>) src(%dma_wait3A_21 : memref<5024x144xf32, #tpu.memory_space<hbm>>) dst(%arg9 : memref<128x144xf32, #tpu.memory_space<vmem>>)
    %barrier3A_22 = arith.constant 0 : index
    tpu.barrier barrier_id(%barrier3A_22)
    %mul3A_23 = arith.constant 160 : i32
    %mul3A_24 = arith.muli %arg1, %mul3A_23 : i32
    %mul3A_25 = arith.constant 160 : i32
    %mul3A_26 = arith.muli %arg1, %mul3A_25 : i32
    "tpu.region"() ({
      %run_scoped3A = tpu.sem_alloc : memref<!tpu.dma_semaphore, #tpu.memory_space<semaphore_mem>>
      %dma_start3A_27 = arith.constant 0 : i32
      %dma_start3A_28 = tpu.memref_slice %arg6[%arg0, %mul3A_26, %dma_start3A_27] : memref<2x2560x144xf32, #tpu.memory_space<hbm>> -> memref<1x160x144xf32, #tpu.memory_space<hbm>>
      %dma_start3A_29 = tpu.memref_squeeze %dma_start3A_28 : memref<1x160x144xf32, #tpu.memory_space<hbm>> -> memref<160x144xf32, #tpu.memory_space<hbm>>
      %dma_start3A_30 = arith.constant 0 : i32
      %dma_start3A_31 = tpu.memref_slice %arg11[%mul3A_24, %dma_start3A_30] : memref<2560x144xf32, #tpu.memory_space<vmem_shared>> -> memref<160x144xf32, #tpu.memory_space<vmem_shared>>
      tpu.enqueue_dma source(%dma_start3A_31 : memref<160x144xf32, #tpu.memory_space<vmem_shared>>) target(%dma_start3A_29 : memref<160x144xf32, #tpu.memory_space<hbm>>) target_semaphore(%run_scoped3A : memref<!tpu.dma_semaphore, #tpu.memory_space<semaphore_mem>>)
      %dma_wait3A_32 = arith.constant 0 : i32
      %dma_wait3A_33 = tpu.memref_slice %arg6[%arg0, %mul3A_26, %dma_wait3A_32] : memref<2x2560x144xf32, #tpu.memory_space<hbm>> -> memref<1x160x144xf32, #tpu.memory_space<hbm>>
      %dma_wait3A_34 = tpu.memref_squeeze %dma_wait3A_33 : memref<1x160x144xf32, #tpu.memory_space<hbm>> -> memref<160x144xf32, #tpu.memory_space<hbm>>
      %dma_wait3A_35 = arith.constant 0 : i32
      %dma_wait3A_36 = tpu.memref_slice %arg11[%mul3A_24, %dma_wait3A_35] : memref<2560x144xf32, #tpu.memory_space<vmem_shared>> -> memref<160x144xf32, #tpu.memory_space<vmem_shared>>
      tpu.wait_dma2 semaphore(%run_scoped3A : memref<!tpu.dma_semaphore, #tpu.memory_space<semaphore_mem>>) src(%dma_wait3A_36 : memref<160x144xf32, #tpu.memory_space<vmem_shared>>) dst(%dma_wait3A_34 : memref<160x144xf32, #tpu.memory_space<hbm>>)
      tpu.yield
    }) : () -> ()
    return
  }
}

module attributes {stable_mosaic.version = 14 : i64} {
  func.func @body(%arg0: i32, %arg1: memref<1256x256xf32, #tpu.memory_space<vmem>>, %arg2: memref<256x256xf32, #tpu.memory_space<vmem>>, %arg3: memref<1256x272xf32, #tpu.memory_space<vmem>>) attributes {dimension_semantics = [#tpu.dimension_semantics<arbitrary>], iteration_bounds = array<i64: 4>, scalar_prefetch = 0 : i64, scratch_operands = 0 : i64, tpu.core_type = #tpu.core_type<tc>, window_params = [{transform_indices = @transform_0, window_bounds = array<i64: 1256, 256>}, {pipeline_mode = #tpu.pipeline_mode<synchronous>, transform_indices = @transform_1, window_bounds = array<i64: 256, 256>}, {transform_indices = @transform_2, window_bounds = array<i64: 1256, 272>}]} {
    %get3A = arith.constant 0 : index
    %get3A_0 = arith.constant 0 : index
    %get3A_1 = vector.load %arg1[%get3A, %get3A_0] : memref<1256x256xf32, #tpu.memory_space<vmem>>, vector<1256x256xf32>
    %get3A_2 = arith.constant 0 : index
    %get3A_3 = arith.constant 0 : index
    %get3A_4 = vector.load %arg2[%get3A_2, %get3A_3] : memref<256x256xf32, #tpu.memory_space<vmem>>, vector<256x256xf32>
    %dot_general3A = arith.constant dense<0.000000e+00> : vector<1256x256xf32>
    %dot_general3A_5 = tpu.matmul %get3A_1, %get3A_4, %dot_general3A {dimension_numbers = #tpu.dot_dimension_numbers<[1], [0], [0], [1], [0, 0, 1, 1], [], []>, transpose_lhs_hint = false} : vector<1256x256xf32>, vector<256x256xf32>, vector<1256x256xf32> -> vector<1256x256xf32>
    %swap3A = arith.constant 0 : index
    %swap3A_6 = arith.constant 0 : index
    %swap3A_7 = vector.load %arg3[%swap3A, %swap3A_6] : memref<1256x272xf32, #tpu.memory_space<vmem>>, vector<1256x256xf32>
    tpu.vector_store %arg3[%swap3A, %swap3A_6], %dot_general3A_5 {strides = array<i32>} : memref<1256x272xf32, #tpu.memory_space<vmem>>, vector<1256x256xf32>,
    %broadcast_in_dim3A = arith.constant 1.000000e+00 : f32
    %broadcast_in_dim3A_8 = vector.broadcast %broadcast_in_dim3A : f32 to vector<1256x1xf32>
    %swap3A_9 = arith.constant 0 : index
    %swap3A_10 = arith.constant 256 : index
    %swap3A_11 = vector.load %arg3[%swap3A_9, %swap3A_10] : memref<1256x272xf32, #tpu.memory_space<vmem>>, vector<1256x1xf32>
    tpu.vector_store %arg3[%swap3A_9, %swap3A_10], %broadcast_in_dim3A_8 {strides = array<i32>} : memref<1256x272xf32, #tpu.memory_space<vmem>>, vector<1256x1xf32>,
    %broadcast_in_dim3A_12 = arith.constant 0.000000e+00 : f32
    %broadcast_in_dim3A_13 = vector.broadcast %broadcast_in_dim3A_12 : f32 to vector<1256x15xf32>
    %swap3A_14 = arith.constant 0 : index
    %swap3A_15 = arith.constant 257 : index
    %swap3A_16 = vector.load %arg3[%swap3A_14, %swap3A_15] : memref<1256x272xf32, #tpu.memory_space<vmem>>, vector<1256x15xf32>
    tpu.vector_store %arg3[%swap3A_14, %swap3A_15], %broadcast_in_dim3A_13 {strides = array<i32>} : memref<1256x272xf32, #tpu.memory_space<vmem>>, vector<1256x15xf32>,
    return
  }
  func.func @transform_0(%arg0: i32) -> (i32, i32) {
    %c0_i32 = arith.constant 0 : i32
    %c0_i32_0 = arith.constant 0 : i32
    return %arg0, %c0_i32 : i32, i32
  }
  func.func @transform_1(%arg0: i32) -> (i32, i32) {
    %c0_i32 = arith.constant 0 : i32
    %c0_i32_0 = arith.constant 0 : i32
    %c0_i32_1 = arith.constant 0 : i32
    return %c0_i32, %c0_i32_0 : i32, i32
  }
  func.func @transform_2(%arg0: i32) -> (i32, i32) {
    %c0_i32 = arith.constant 0 : i32
    %c0_i32_0 = arith.constant 0 : i32
    return %arg0, %c0_i32 : i32, i32
  }
}

module attributes {stable_mosaic.version = 14 : i64} {
  func.func @body(%arg0: i32, %arg1: memref<2x1256x272xf32, #tpu.memory_space<vmem>>, %arg2: memref<1256x256xf32, #tpu.memory_space<vmem>>, %arg3: memref<256x256xf32, #tpu.memory_space<vmem>>, %arg4: memref<1x256xf32, #tpu.memory_space<vmem>>, %arg5: memref<256x128xf32, #tpu.memory_space<vmem>>, %arg6: memref<1256x144xf32, #tpu.memory_space<vmem>>, %arg7: memref<1256x256xf32, #tpu.memory_space<vmem>>) attributes {dimension_semantics = [#tpu.dimension_semantics<arbitrary>], iteration_bounds = array<i64: 4>, scalar_prefetch = 0 : i64, scratch_operands = 0 : i64, tpu.core_type = #tpu.core_type<tc>, window_params = [{transform_indices = @transform_0, window_bounds = array<i64: 2, 1256, 272>}, {transform_indices = @transform_1, window_bounds = array<i64: 1256, 256>}, {pipeline_mode = #tpu.pipeline_mode<synchronous>, transform_indices = @transform_2, window_bounds = array<i64: 256, 256>}, {pipeline_mode = #tpu.pipeline_mode<synchronous>, transform_indices = @transform_3, window_bounds = array<i64: 1, 256>}, {pipeline_mode = #tpu.pipeline_mode<synchronous>, transform_indices = @transform_4, window_bounds = array<i64: 256, 128>}, {transform_indices = @transform_5, window_bounds = array<i64: 1256, 144>}, {transform_indices = @transform_6, window_bounds = array<i64: 1256, 256>}]} {
    %get3A = arith.constant 0 : index
    %get3A_0 = arith.constant 0 : index
    %get3A_1 = arith.constant 0 : index
    %get3A_2 = vector.load %arg1[%get3A, %get3A_0, %get3A_1] : memref<2x1256x272xf32, #tpu.memory_space<vmem>>, vector<1x1256x272xf32>
    %get3A_3 = vector.shape_cast %get3A_2 : vector<1x1256x272xf32> to vector<1256x272xf32>
    %get3A_4 = arith.constant 1 : index
    %get3A_5 = arith.constant 0 : index
    %get3A_6 = arith.constant 0 : index
    %get3A_7 = vector.load %arg1[%get3A_4, %get3A_5, %get3A_6] : memref<2x1256x272xf32, #tpu.memory_space<vmem>>, vector<1x1256x272xf32>
    %get3A_8 = vector.shape_cast %get3A_7 : vector<1x1256x272xf32> to vector<1256x272xf32>
    %add3A = arith.addf %get3A_3, %get3A_8 : vector<1256x272xf32>
    %slice3A = vector.extract_strided_slice %add3A {offsets = [0, 256], sizes = [1256, 1], strides = [1, 1]} : vector<1256x272xf32> to vector<1256x1xf32>
    %max3A = arith.constant 1.000000e+00 : f32
    %max3A_9 = vector.broadcast %max3A : f32 to vector<1256x1xf32>
    %max3A_10 = arith.maximumf %slice3A, %max3A_9 : vector<1256x1xf32>
    %slice3A_11 = vector.extract_strided_slice %add3A {offsets = [0, 0], sizes = [1256, 256], strides = [1, 1]} : vector<1256x272xf32> to vector<1256x256xf32>
    %div3A = vector.broadcast %max3A_10 : vector<1256x1xf32> to vector<1256x256xf32>
    %div3A_12 = arith.divf %slice3A_11, %div3A : vector<1256x256xf32>
    %get3A_13 = arith.constant 0 : index
    %get3A_14 = arith.constant 0 : index
    %get3A_15 = vector.load %arg2[%get3A_13, %get3A_14] : memref<1256x256xf32, #tpu.memory_space<vmem>>, vector<1256x256xf32>
    %get3A_16 = arith.constant 0 : index
    %get3A_17 = arith.constant 0 : index
    %get3A_18 = vector.load %arg3[%get3A_16, %get3A_17] : memref<256x256xf32, #tpu.memory_space<vmem>>, vector<256x256xf32>
    %dot_general3A = arith.constant dense<0.000000e+00> : vector<1256x256xf32>
    %dot_general3A_19 = tpu.matmul %get3A_15, %get3A_18, %dot_general3A {dimension_numbers = #tpu.dot_dimension_numbers<[1], [0], [0], [1], [0, 0, 1, 1], [], []>, transpose_lhs_hint = false} : vector<1256x256xf32>, vector<256x256xf32>, vector<1256x256xf32> -> vector<1256x256xf32>
    %get3A_20 = arith.constant 0 : index
    %get3A_21 = arith.constant 0 : index
    %get3A_22 = vector.load %arg4[%get3A_20, %get3A_21] : memref<1x256xf32, #tpu.memory_space<vmem>>, vector<1x256xf32>
    %add3A_23 = vector.broadcast %get3A_22 : vector<1x256xf32> to vector<1256x256xf32>
    %add3A_24 = arith.addf %div3A_12, %add3A_23 : vector<1256x256xf32>
    %add3A_25 = arith.addf %add3A_24, %dot_general3A_19 : vector<1256x256xf32>
    %max3A_26 = arith.constant 0.000000e+00 : f32
    %max3A_27 = vector.broadcast %max3A_26 : f32 to vector<1256x256xf32>
    %max3A_28 = arith.maximumf %add3A_25, %max3A_27 : vector<1256x256xf32>
    %get3A_29 = arith.constant 0 : index
    %get3A_30 = arith.constant 0 : index
    %get3A_31 = vector.load %arg5[%get3A_29, %get3A_30] : memref<256x128xf32, #tpu.memory_space<vmem>>, vector<256x128xf32>
    %dot_general3A_32 = arith.constant dense<0.000000e+00> : vector<1256x128xf32>
    %dot_general3A_33 = tpu.matmul %max3A_28, %get3A_31, %dot_general3A_32 {dimension_numbers = #tpu.dot_dimension_numbers<[1], [0], [0], [1], [0, 0, 1, 1], [], []>, transpose_lhs_hint = false} : vector<1256x256xf32>, vector<256x128xf32>, vector<1256x128xf32> -> vector<1256x128xf32>
    %swap3A = arith.constant 0 : index
    %swap3A_34 = arith.constant 0 : index
    %swap3A_35 = vector.load %arg6[%swap3A, %swap3A_34] : memref<1256x144xf32, #tpu.memory_space<vmem>>, vector<1256x128xf32>
    tpu.vector_store %arg6[%swap3A, %swap3A_34], %dot_general3A_33 {strides = array<i32>} : memref<1256x144xf32, #tpu.memory_space<vmem>>, vector<1256x128xf32>,
    %broadcast_in_dim3A = arith.constant 1.000000e+00 : f32
    %broadcast_in_dim3A_36 = vector.broadcast %broadcast_in_dim3A : f32 to vector<1256x1xf32>
    %swap3A_37 = arith.constant 0 : index
    %swap3A_38 = arith.constant 128 : index
    %swap3A_39 = vector.load %arg6[%swap3A_37, %swap3A_38] : memref<1256x144xf32, #tpu.memory_space<vmem>>, vector<1256x1xf32>
    tpu.vector_store %arg6[%swap3A_37, %swap3A_38], %broadcast_in_dim3A_36 {strides = array<i32>} : memref<1256x144xf32, #tpu.memory_space<vmem>>, vector<1256x1xf32>,
    %broadcast_in_dim3A_40 = arith.constant 0.000000e+00 : f32
    %broadcast_in_dim3A_41 = vector.broadcast %broadcast_in_dim3A_40 : f32 to vector<1256x15xf32>
    %swap3A_42 = arith.constant 0 : index
    %swap3A_43 = arith.constant 129 : index
    %swap3A_44 = vector.load %arg6[%swap3A_42, %swap3A_43] : memref<1256x144xf32, #tpu.memory_space<vmem>>, vector<1256x15xf32>
    tpu.vector_store %arg6[%swap3A_42, %swap3A_43], %broadcast_in_dim3A_41 {strides = array<i32>} : memref<1256x144xf32, #tpu.memory_space<vmem>>, vector<1256x15xf32>,
    %swap3A_45 = arith.constant 0 : index
    %swap3A_46 = arith.constant 0 : index
    %swap3A_47 = vector.load %arg7[%swap3A_45, %swap3A_46] : memref<1256x256xf32, #tpu.memory_space<vmem>>, vector<1256x256xf32>
    tpu.vector_store %arg7[%swap3A_45, %swap3A_46], %max3A_28 {strides = array<i32>} : memref<1256x256xf32, #tpu.memory_space<vmem>>, vector<1256x256xf32>,
    return
  }
  func.func @transform_0(%arg0: i32) -> (i32, i32, i32) {
    %c0_i32 = arith.constant 0 : i32
    %c0_i32_0 = arith.constant 0 : i32
    %c0_i32_1 = arith.constant 0 : i32
    return %c0_i32, %arg0, %c0_i32_0 : i32, i32, i32
  }
  func.func @transform_1(%arg0: i32) -> (i32, i32) {
    %c0_i32 = arith.constant 0 : i32
    %c0_i32_0 = arith.constant 0 : i32
    return %arg0, %c0_i32 : i32, i32
  }
  func.func @transform_2(%arg0: i32) -> (i32, i32) {
    %c0_i32 = arith.constant 0 : i32
    %c0_i32_0 = arith.constant 0 : i32
    %c0_i32_1 = arith.constant 0 : i32
    return %c0_i32, %c0_i32_0 : i32, i32
  }
  func.func @transform_3(%arg0: i32) -> (i32, i32) {
    %c0_i32 = arith.constant 0 : i32
    %c0_i32_0 = arith.constant 0 : i32
    %c0_i32_1 = arith.constant 0 : i32
    return %c0_i32, %c0_i32_0 : i32, i32
  }
  func.func @transform_4(%arg0: i32) -> (i32, i32) {
    %c0_i32 = arith.constant 0 : i32
    %c0_i32_0 = arith.constant 0 : i32
    %c0_i32_1 = arith.constant 0 : i32
    return %c0_i32, %c0_i32_0 : i32, i32
  }
  func.func @transform_5(%arg0: i32) -> (i32, i32) {
    %c0_i32 = arith.constant 0 : i32
    %c0_i32_0 = arith.constant 0 : i32
    return %arg0, %c0_i32 : i32, i32
  }
  func.func @transform_6(%arg0: i32) -> (i32, i32) {
    %c0_i32 = arith.constant 0 : i32
    %c0_i32_0 = arith.constant 0 : i32
    return %arg0, %c0_i32 : i32, i32
  }
}

module attributes {stable_mosaic.version = 14 : i64} {
  func.func @body(%arg0: i32, %arg1: memref<2x640x144xf32, #tpu.memory_space<vmem>>, %arg2: memref<640x256xf32, #tpu.memory_space<vmem>>, %arg3: memref<256x128xf32, #tpu.memory_space<vmem>>, %arg4: memref<1x128xf32, #tpu.memory_space<vmem>>, %arg5: memref<640x128xf32, #tpu.memory_space<vmem>>) attributes {dimension_semantics = [#tpu.dimension_semantics<arbitrary>], iteration_bounds = array<i64: 4>, scalar_prefetch = 0 : i64, scratch_operands = 0 : i64, tpu.core_type = #tpu.core_type<tc>, window_params = [{transform_indices = @transform_0, window_bounds = array<i64: 2, 640, 144>}, {transform_indices = @transform_1, window_bounds = array<i64: 640, 256>}, {pipeline_mode = #tpu.pipeline_mode<synchronous>, transform_indices = @transform_2, window_bounds = array<i64: 256, 128>}, {pipeline_mode = #tpu.pipeline_mode<synchronous>, transform_indices = @transform_3, window_bounds = array<i64: 1, 128>}, {transform_indices = @transform_4, window_bounds = array<i64: 640, 128>}]} {
    %get3A = arith.constant 0 : index
    %get3A_0 = arith.constant 0 : index
    %get3A_1 = arith.constant 0 : index
    %get3A_2 = vector.load %arg1[%get3A, %get3A_0, %get3A_1] : memref<2x640x144xf32, #tpu.memory_space<vmem>>, vector<1x640x144xf32>
    %get3A_3 = vector.shape_cast %get3A_2 : vector<1x640x144xf32> to vector<640x144xf32>
    %get3A_4 = arith.constant 1 : index
    %get3A_5 = arith.constant 0 : index
    %get3A_6 = arith.constant 0 : index
    %get3A_7 = vector.load %arg1[%get3A_4, %get3A_5, %get3A_6] : memref<2x640x144xf32, #tpu.memory_space<vmem>>, vector<1x640x144xf32>
    %get3A_8 = vector.shape_cast %get3A_7 : vector<1x640x144xf32> to vector<640x144xf32>
    %add3A = arith.addf %get3A_3, %get3A_8 : vector<640x144xf32>
    %slice3A = vector.extract_strided_slice %add3A {offsets = [0, 128], sizes = [640, 1], strides = [1, 1]} : vector<640x144xf32> to vector<640x1xf32>
    %max3A = arith.constant 1.000000e+00 : f32
    %max3A_9 = vector.broadcast %max3A : f32 to vector<640x1xf32>
    %max3A_10 = arith.maximumf %slice3A, %max3A_9 : vector<640x1xf32>
    %slice3A_11 = vector.extract_strided_slice %add3A {offsets = [0, 0], sizes = [640, 128], strides = [1, 1]} : vector<640x144xf32> to vector<640x128xf32>
    %div3A = vector.broadcast %max3A_10 : vector<640x1xf32> to vector<640x128xf32>
    %div3A_12 = arith.divf %slice3A_11, %div3A : vector<640x128xf32>
    %get3A_13 = arith.constant 0 : index
    %get3A_14 = arith.constant 0 : index
    %get3A_15 = vector.load %arg4[%get3A_13, %get3A_14] : memref<1x128xf32, #tpu.memory_space<vmem>>, vector<1x128xf32>
    %add3A_16 = vector.broadcast %get3A_15 : vector<1x128xf32> to vector<640x128xf32>
    %add3A_17 = arith.addf %div3A_12, %add3A_16 : vector<640x128xf32>
    %get3A_18 = arith.constant 0 : index
    %get3A_19 = arith.constant 0 : index
    %get3A_20 = vector.load %arg2[%get3A_18, %get3A_19] : memref<640x256xf32, #tpu.memory_space<vmem>>, vector<640x256xf32>
    %get3A_21 = arith.constant 0 : index
    %get3A_22 = arith.constant 0 : index
    %get3A_23 = vector.load %arg3[%get3A_21, %get3A_22] : memref<256x128xf32, #tpu.memory_space<vmem>>, vector<256x128xf32>
    %dot_general3A = arith.constant dense<0.000000e+00> : vector<640x128xf32>
    %dot_general3A_24 = tpu.matmul %get3A_20, %get3A_23, %dot_general3A {dimension_numbers = #tpu.dot_dimension_numbers<[1], [0], [0], [1], [0, 0, 1, 1], [], []>, transpose_lhs_hint = false} : vector<640x256xf32>, vector<256x128xf32>, vector<640x128xf32> -> vector<640x128xf32>
    %add3A_25 = arith.addf %add3A_17, %dot_general3A_24 : vector<640x128xf32>
    %reduce_max3A = arith.constant dense<0xFF800000> : vector<640xf32>
    %reduce_max3A_26 = vector.multi_reduction <maximumf>, %add3A_25, %reduce_max3A [1] : vector<640x128xf32> to vector<640xf32>
    %broadcast_in_dim3A = vector.shape_cast %reduce_max3A_26 : vector<640xf32> to vector<640x1xf32>
    %sub3A = vector.broadcast %broadcast_in_dim3A : vector<640x1xf32> to vector<640x128xf32>
    %sub3A_27 = arith.subf %add3A_25, %sub3A : vector<640x128xf32>
    %exp3A = math.exp %sub3A_27 : vector<640x128xf32>
    %reduce_sum3A = arith.constant dense<0.000000e+00> : vector<640xf32>
    %reduce_sum3A_28 = vector.multi_reduction <add>, %exp3A, %reduce_sum3A [1] : vector<640x128xf32> to vector<640xf32>
    %broadcast_in_dim3A_29 = vector.shape_cast %reduce_sum3A_28 : vector<640xf32> to vector<640x1xf32>
    %log3A = math.log %broadcast_in_dim3A_29 : vector<640x1xf32>
    %sub3A_30 = vector.broadcast %log3A : vector<640x1xf32> to vector<640x128xf32>
    %sub3A_31 = arith.subf %sub3A_27, %sub3A_30 : vector<640x128xf32>
    %swap3A = arith.constant 0 : index
    %swap3A_32 = arith.constant 0 : index
    %swap3A_33 = vector.load %arg5[%swap3A, %swap3A_32] : memref<640x128xf32, #tpu.memory_space<vmem>>, vector<640x128xf32>
    tpu.vector_store %arg5[%swap3A, %swap3A_32], %sub3A_31 {strides = array<i32>} : memref<640x128xf32, #tpu.memory_space<vmem>>, vector<640x128xf32>,
    return
  }
  func.func @transform_0(%arg0: i32) -> (i32, i32, i32) {
    %c0_i32 = arith.constant 0 : i32
    %c0_i32_0 = arith.constant 0 : i32
    %c0_i32_1 = arith.constant 0 : i32
    return %c0_i32, %arg0, %c0_i32_0 : i32, i32, i32
  }
  func.func @transform_1(%arg0: i32) -> (i32, i32) {
    %c0_i32 = arith.constant 0 : i32
    %c0_i32_0 = arith.constant 0 : i32
    return %arg0, %c0_i32 : i32, i32
  }
  func.func @transform_2(%arg0: i32) -> (i32, i32) {
    %c0_i32 = arith.constant 0 : i32
    %c0_i32_0 = arith.constant 0 : i32
    %c0_i32_1 = arith.constant 0 : i32
    return %c0_i32, %c0_i32_0 : i32, i32
  }
  func.func @transform_3(%arg0: i32) -> (i32, i32) {
    %c0_i32 = arith.constant 0 : i32
    %c0_i32_0 = arith.constant 0 : i32
    %c0_i32_1 = arith.constant 0 : i32
    return %c0_i32, %c0_i32_0 : i32, i32
  }
  func.func @transform_4(%arg0: i32) -> (i32, i32) {
    %c0_i32 = arith.constant 0 : i32
    %c0_i32_0 = arith.constant 0 : i32
    return %arg0, %c0_i32 : i32, i32
  }
}

</mosaic_0001>

<sc_bundles>
// kernel: kernel.10.cloned.1.call-start
scs
__scs_entry_jumppad:
0x0: {  	(pc) =	sbr.rel $0x88, $3  }
0x1: {  	(tag) =	ssettag $0x0;
	lr =	simm.s32 $0x1  }
0x2: {  	[smem:$0x3F98] =	sst lr;
	_ =	strace $0xD0000000  }
0x3: {  	_ = 	snop  }
0x4: {  	_ = 	snop  }
0x5: {  	_ = 	snop  }
0x6: {  	_ = 	snop  }
0x7: {  	_ = 	snop  }
__scs_overlays_trampoline_lowered:
0x8: {  	[smem:$0x3FA7] =	sst s0  }
0x9: {  	[smem:$0x3FA8] =	sst s1  }
0xa: {  	[smem:$0x3FA9] =	sst s2  }
0xb: {  	[smem:$0x3FAA] =	sst s3  }
0xc: {  	[smem:$0x3FAB] =	sst s4  }
0xd: {  	[smem:$0x3FAC] =	sst s5  }
0xe: {  	[smem:$0x3FAD] =	sst s6  }
0xf: {  	[smem:$0x3FAE] =	sst s7  }
0x10: {  	[smem:$0x3FAF] =	sst s8  }
0x11: {  	[smem:$0x3FB0] =	sst s9;
	s0 =	simm.s32 @!p0 $0x0  }
0x12: {  	s1 =	sld [smem:$0x3F96];
	s0 =	simm.s32 @p0 $0x1  }
0x13: {  	[smem:$0x3FB1] =	sst s0;
	s0 =	simm.s32 @!p1 $0x0  }
0x14: {  	s2 =	sld [smem:$0x3F95];
	s0 =	simm.s32 @p1 $0x1  }
0x15: {  	[smem:$0x3FB2] =	sst s0;
	s0 =	simm.s32 @!p2 $0x0  }
0x16: {  	s3 =	sld [smem:$0x3FDB];
	s0 =	simm.s32 @p2 $0x1  }
0x17: {  	s4 =	simm.s32 $0x1BF5;
	[smem:$0x3FB4] =	sst s0  }
0x18: {  	s0 =	sld [smem:$0x3F97];
	_ =	swait.ge [sflag:s4], $0x0  }
0x19: {  	s7 =	sld [smem:$0x3F98]  }
0x1a: {  	s8 =	sadd.s32 $0xFFFFE003, lr  }
0x1b: {  	s9 =	sadd.s32 $0xFFFFFEF7, lr;
	s5 =	simm.s32 $0xFFFFFFFF;
	p2 =	slt.u32 s8, $0xFFFFF086  }
0x1c: {  	p1 =	slt.u32 s9, $0xF7A;
	s5 =	simm.s32 @!p2 $0x0  }
0x1d: {  	s5 =	simm.s32 @p1 $0x1;
	p0 =	seq.s32 s7, s2  }
0x1e: {  	s7 =	smul.u32 @!p0 $0xF7A, s2;
	p2 =	seq.s32 @!p0 s5, $0x0  }
0x1f: {  	s9 =	smul.u32 $0xF7A, s1;
	s8 =	simm.s32 @!p0 $0x1BF5;
	p2 =	por !p2, p0  }
0x20: {  	[sflag:s8] =	ssyncset.s32 @!p0 $0xFFFFF086;
	s6 =	sadd.s32 @!p0 s3, s7;
	s7 =	simm.s32 @!p0 $0x108  }
0x21: {  	s3 =	sadd.s32 s3, s9;
	s6 =	sadd.s32 @!p0 $0x88, s6;
	s7 =	simm.s32 @p2 $0x1082  }
0x22: {  	[simem:s7], [sflag:s8] =	dma.local @!p0 [hbm:s6], $0xF7A  }
0x23: {  	s9 =	sor.u32 $0xD0000000, s2;
	s6 =	simm.s32 $0x108;
	_ =	swait.ge @!p0 [sflag:s8], $0x0  }
0x24: {  	s3 =	sadd.s32 $0x88, s3;
	s6 =	simm.s32 @!p1 $0x1082;
	[sflag:s4] =	ssyncset.s32 $0xFFFFF086  }
0x25: {  	[simem:s6], [sflag:s4] =	dma.local [hbm:s3], $0xF7A  }
0x26: {  	[smem:$0x3F98] =	sst s1;
	(tag) =	ssettag s2;
	_ =	strace s9  }
0x27: {  	s1 =	sld [smem:$0x3FA8]  }
0x28: {  	s2 =	sld [smem:$0x3FA9]  }
0x29: {  	s4 =	sld [smem:$0x3FAB]  }
0x2a: {  	p0 =	seq.s32 s5, $0x0;
	s5 =	sld [smem:$0x3FAC]  }
0x2b: {  	s6 =	sld [smem:$0x3FAD]  }
0x2c: {  	s7 =	sld [smem:$0x3FAE]  }
0x2d: {  	s3 =	simm.s32 $0x108;
	s8 =	sld [smem:$0x3FAF]  }
0x2e: {  	s3 =	simm.s32 @!p0 $0x1082;
	s9 =	sld [smem:$0x3FB0]  }
0x2f: {  	lr =	sadd.s32 s0, s3;
	s0 =	sld [smem:$0x3FA7]  }
0x30: {  	s3 =	sld [smem:$0x3FAA]  }
0x31: {  	[smem:$0x3FB3] =	sst s10  }
0x32: {  	s10 =	sld [smem:$0x3FB1];
	_ =	sdelay $0x3  }
0x33: {  	p0 =	seq.s32 s10, $0x1;
	s10 =	sld [smem:$0x3FB3];
	_ =	sdelay $0x3  }
0x34: {  	[smem:$0x3FB3] =	sst s10  }
0x35: {  	s10 =	sld [smem:$0x3FB2];
	_ =	sdelay $0x3  }
0x36: {  	p1 =	seq.s32 s10, $0x1;
	s10 =	sld [smem:$0x3FB3];
	_ =	sdelay $0x3  }
0x37: {  	[smem:$0x3FB3] =	sst s10  }
0x38: {  	s10 =	sld [smem:$0x3FB4]  }
0x39: {  	_ = 	snop;
	(pc) =	sbr.ind lr, $3  }
0x3a: {  	_ = 	snop  }
0x3b: {  	_ = 	snop  }
0x3c: {  	p2 =	seq.s32 s10, $0x1;
	s10 =	sld [smem:$0x3FB3]  }
0x3d: {  	_ =	shalt  }
0x3e: {  	_ =	shalt  }
0x3f: {  	_ =	shalt  }
0x40: {  	_ =	shalt  }
0x41: {  	_ =	shalt  }
0x42: {  	_ =	shalt  }
0x43: {  	_ =	shalt  }
0x44: {  	_ =	shalt  }
0x45: {  	_ =	shalt  }
0x46: {  	_ =	shalt  }
0x47: {  	_ =	shalt  }
0x48: {  	_ =	shalt  }
0x49: {  	_ =	shalt  }
0x4a: {  	_ =	shalt  }
0x4b: {  	_ =	shalt  }
0x4c: {  	_ =	shalt  }
0x4d: {  	_ =	shalt  }
0x4e: {  	_ =	shalt  }
0x4f: {  	_ =	shalt  }
0x50: {  	_ =	shalt  }
0x51: {  	_ =	shalt  }
0x52: {  	_ =	shalt  }
0x53: {  	_ =	shalt  }
0x54: {  	_ =	shalt  }
0x55: {  	_ =	shalt  }
0x56: {  	_ =	shalt  }
0x57: {  	_ =	shalt  }
0x58: {  	_ =	shalt  }
0x59: {  	_ =	shalt  }
0x5a: {  	_ =	shalt  }
0x5b: {  	_ =	shalt  }
0x5c: {  	_ =	shalt  }
0x5d: {  	_ =	shalt  }
0x5e: {  	_ =	shalt  }
0x5f: {  	_ =	shalt  }
0x60: {  	_ =	shalt  }
0x61: {  	_ =	shalt  }
0x62: {  	_ =	shalt  }
0x63: {  	_ =	shalt  }
0x64: {  	_ =	shalt  }
0x65: {  	_ =	shalt  }
0x66: {  	_ =	shalt  }
0x67: {  	_ =	shalt  }
0x68: {  	_ =	shalt  }
0x69: {  	_ =	shalt  }
0x6a: {  	_ =	shalt  }
0x6b: {  	_ =	shalt  }
0x6c: {  	_ =	shalt  }
0x6d: {  	_ =	shalt  }
0x6e: {  	_ =	shalt  }
0x6f: {  	_ =	shalt  }
0x70: {  	_ =	shalt  }
0x71: {  	_ =	shalt  }
0x72: {  	_ =	shalt  }
0x73: {  	_ =	shalt  }
0x74: {  	_ =	shalt  }
0x75: {  	_ =	shalt  }
0x76: {  	_ =	shalt  }
0x77: {  	_ =	shalt  }
0x78: {  	_ =	shalt  }
0x79: {  	_ =	shalt  }
0x7a: {  	_ =	shalt  }
0x7b: {  	_ =	shalt  }
0x7c: {  	_ =	shalt  }
0x7d: {  	_ =	shalt  }
0x7e: {  	_ =	shalt  }
0x7f: {  	_ =	shalt  }
0x80: {  	_ =	shalt  }
0x81: {  	_ =	shalt  }
0x82: {  	_ =	shalt  }
0x83: {  	_ =	shalt  }
0x84: {  	_ =	shalt  }
0x85: {  	_ =	shalt  }
0x86: {  	_ =	shalt  }
0x87: {  	_ =	shalt  }
.Lfunc_end0:
.L_simem_size_0:
called_computation.1_lowered:
.L_overlay_start_0:
0x88: {  	s2 =	sld [smem:$0x3FD9]  }
0x89: {  	s3 =	sld [smem:$0x3FFE];
	_ =	sdelay $0x1  }
0x8a: {  	s1 =	srdreg.scid  }
0x8b: {  	s0 =	sand.u32 $0x1, s1  }
0x8c: {  	s16 =	sshll.u32 s0, $0xA;
	s2 =	sadd.s32 s3, s2  }
0x8d: {  	s2 =	sadd.s32 s2, s16  }
0x8e: {  	[smem:$0x3FBF] =	sst s2  }
0x8f: {  	_ = 	snop  }
0x90: {  	(tm) =	ssettm $0x1  }
0x91: {  	s17 =	sld [smem:$0x3FFB];
	_ =	sdelay $0x3  }
0x92: {  	_ =	strace s17  }
0x93: {  	s2 =	sld [smem:$0x3FFC];
	_ =	sdelay $0x3  }
0x94: {  	_ =	strace s2  }
0x95: {  	s2 =	sld [smem:$0x3FFD];
	_ =	sdelay $0x3  }
0x96: {  	_ =	strace s2  }
0x97: {  	_ =	strace $0x8FFFFFFF  }
0x98: {  	s18 =	sld [smem:$0x3FDB];
	_ =	sdelay $0x1  }
0x99: {  	s19 =	simm.s32 $_scs_section_size  }
0x9a: {  	s4 =	simm.s32 $_size__tile_overlayer_lowered;
	s5 =	simm.s32 $_tile_overlayer_lowered  }
0x9b: {  	s22 =	simm.s32 $0x1BFF;
	s21 =	sshll.u32 s5, $0x1;
	s2 =	sadd.s32 s19, s18  }
0x9c: {  	s6 =	simm.s32 $0x0;
	s20 =	sshll.u32 s4, $0x1;
	s4 =	sadd.s32 s21, s2  }
0x9d: {  	[timem:s6], [sflag:s22] =	dma.local [hbm:s4], s20  }
0x9e: {  	_ =	swait.ge [sflag:s22], s20  }
0x9f: {  	s3 =	ssub.s32 $0x0, s20;
	[sflag:s22] =	ssyncset.done $0x0  }
0xa0: {  	[sflag:s22] =	ssyncadd.s32 s3;
	_ =	sdelay $0x1  }
0xa1: {  	s23 =	simm.s32 $0x1B8B  }
0xa2: {  	_ =	swait.ge [sflag:s23], $0x1  }
0xa3: {  	[sflag:s23] =	ssyncset.done $0x0  }
0xa4: {  	s25 =	simm.s32 $0x1B8E;
	s24 =	sld [smem:$0x3FFE];
	[sflag:s23] =	ssyncadd.s32 $0xFFFFFFFF  }
0xa5: {  	s26 =	simm.s32 $execute0_lowered;
	[smem:$0x3FD2] =	sst s25  }
0xa6: {  	s4 =	sshll.u32 s26, $0x1;
	_ =	strace $0x80000049;
	[dreg:$0x1] =	wrdreg $0xFFFFFFFF  }
0xa7: {  	s28 =	simm.s32 $_size_execute0_lowered;
	s2 =	sadd.s32 s2, s4;
	[dreg:$0x0] =	wrdreg $0x0  }
0xa8: {  	s4 =	sshll.u32 s28, $0x1;
	[dreg:$0x2] =	wrdreg s2  }
0xa9: {  	[dreg:$0x3] =	wrdreg s4  }
0xaa: {  	[dreg:$0x4] =	wrdreg $0xC0  }
0xab: {  	_ =	task [dreg:s6], $0x5FFFF  }
0xac: {  	[dreg:$0x1] =	wrdreg $0xFFFFFFFF  }
0xad: {  	[dreg:$0x0] =	wrdreg $0x60  }
0xae: {  	[dreg:$0x2] =	wrdreg s24  }
0xaf: {  	[dreg:$0x3] =	wrdreg $0xA4000  }
0xb0: {  	[dreg:$0x4] =	wrdreg $0x9  }
0xb1: {  	_ =	task.clear_ibuf [dreg:s6], $0x5FFFF;
	_ =	strace $0x90000049  }
0xb2: {  	s29 =	simm.s32 $0x9;
	_ =	strace $0x8000004B  }
0xb3: {  	_ =	swait.ge [sflag:s29], $0x1  }
0xb4: {  	[sflag:s29] =	ssyncadd.s32 $0xFFFFFFFF  }
0xb5: {  	_ =	strace $0x9000004B  }
0xb6: {  	_ =	sfence  }
0xb7: {  	s30 =	sld [smem:$0x0];
	_ =	sdelay $0x2  }
0xb8: {  	s31 =	sshll.u32 s1, $0xD;
	s1 =	sshrl.u32 s1, $0x2  }
0xb9: {  	s3 =	sand.u32 $0x4000, s31;
	s1 =	sadd.s32 s1, s30  }
0xba: {  	s0 =	sor.u32 s3, s0;
	s1 =	sshll.u32 s1, $0x11  }
0xbb: {  	s0 =	sor.u32 s1, s0  }
0xbc: {  	s0 =	sadd.s32 $0x8F2B, s0  }
0xbd: {  	[sflag:s0] =	ssyncadd.remote.s32 $0x1  }
0xbe: {  	_ =	sfence.sel $0xFFFF  }
0xbf: {  	[dreg:$0x0] =	wrdreg $0xFFFFFFFF;
	(pc) =	sbr.abs _section_cstart, $3  }
0xc0: {  	[dreg:$0x1] =	wrdreg $0xFFFFFFFF  }
0xc1: {  	_ =	task.clear_ibuf [dreg:s6], $0x2FFFF;
	_ =	strace $0x9FFFFFFF  }
0xc2: {  	(tm) =	ssettm $0x7FFFFFFF  }
0xc3: {  	_ =	shalt  }
tec
execute0_lowered:
.L_overlay_start_1:
0x0: {  	(tag) =	ssettag $0x1  }
0x1: {  	s4 =	rddreg [dreg:$0x0]  }
0x2: {  	s0 =	srdreg.scid;
	s2 =	rddreg [dreg:$0x1];
	s3 =	simm.s32 $0x0  }
0x3: {  	s9 =	stileid.u32;
	s25 =	simm.s32 $0x100;
	[smem:$0x7FF] =	sst s3  }
0x4: {  	s26 =	simm.s32 $0xA80;
	_ =	strace $0x8000004A;
	[dreg:$0x7] =	wrdreg s25  }
0x5: {  	s10 =	simm.s32 $0xB80;
	s11 =	simm.s32 $0x280;
	[dreg:$0x8] =	wrdreg s26  }
0x6: {  	s13 =	simm.s32 $0xC00;
	s14 =	simm.s32 $0x300;
	[dreg:$0xc] =	wrdreg s10  }
0x7: {  	s16 =	simm.s32 $0xC80;
	s17 =	simm.s32 $0x380;
	[dreg:$0xd] =	wrdreg s11  }
0x8: {  	s18 =	simm.s32 $0xD00;
	s31 =	simm.s32 $0xA00;
	[dreg:$0xe] =	wrdreg s13  }
0x9: {  	s19 =	simm.s32 $0x400;
	s21 =	simm.s32 $0xD80;
	[dreg:$0xf] =	wrdreg s14  }
0xa: {  	s22 =	simm.s32 $0x480;
	s30 =	simm.s32 $0xF00;
	[dreg:$0x10] =	wrdreg s16  }
0xb: {  	s29 =	simm.s32 $0x600;
	s28 =	simm.s32 $0xF80;
	[dreg:$0x11] =	wrdreg s17  }
0xc: {  	p0 =	por $0x0, $0x0;
	s0 =	sand.u32 $0x1, s0;
	[dreg:$0x12] =	wrdreg s18  }
0xd: {  	s5 =	smul.u32 $0x5A00, s9;
	s20 =	sshll.u32 s9, $0x6;
	[dreg:$0x13] =	wrdreg s19  }
0xe: {  	s1 =	sshll.u32 s0, $0x4;
	s6 =	smul.u32 $0x5A000, s0;
	[dreg:$0x14] =	wrdreg s21  }
0xf: {  	s0 =	ssub.s32 $0x2, s0;
	[dreg:$0x15] =	wrdreg s22;
	s11 =	simm.s32 $0x1400  }
0x10: {  	s25 =	simm.s32 $0xE80;
	s10 =	simm.s32 $0x5C00;
	s26 =	simm.s32 $0x580  }
0x11: {  	s22 =	simm.s32 $0x780;
	s21 =	simm.s32 $0x1100;
	s19 =	simm.s32 $0x1180  }
0x12: {  	s17 =	simm.s32 $0x880;
	s18 =	simm.s32 $0x1200;
	s16 =	simm.s32 $0x900  }
0x13: {  	s14 =	simm.s32 $0x980;
	s13 =	simm.s32 $0x1300;
	s1 =	sor.u32 s9, s1  }
0x14: {  	s7 =	sshrl.u32 s5, $0x3;
	s12 =	sshrl.u32 s0, $0x1;
	[dreg:$0x18] =	wrdreg s25  }
0x15: {  	s15 =	sadd.s32 s5, s2;
	s9 =	simm.s32 $0x1;
	[dreg:$0x19] =	wrdreg s26  }
0x16: {  	s26 =	simm.s32 $0x680;
	s25 =	simm.s32 $0x1000;
	s1 =	smul.u32 $0x140, s1  }
0x17: {  	s7 =	sadd.s32 s7, s4;
	s6 =	sadd.s32 s5, s6;
	s0 =	ssub.s32 s0, s12  }
0x18: {  	s5 =	simm.s32 $0x2;
	s12 =	simm.s32 $0x1380;
	s6 =	sshrl.u32 s6, $0x3  }
0x19: {  	s23 =	sadd.s32 $0x16C00, s7;
	s7 =	simm.s32 $0xB00;
	s0 =	smax.u32 s0, $0x1  }
0x1a: {  	s1 =	sadd.s32 s1, s4;
	s6 =	sadd.s32 s6, s4;
	[dreg:$0x5] =	wrdreg s23  }
0x1b: {  	[dreg:$0xa] =	wrdreg s7;
	s4 =	sadd.s32 $0xA00, s4;
	s23 =	simm.s32 $0xE00  }
0x1c: {  	s7 =	sshrl.u32 s15, $0x3;
	s8 =	sadd.s32 $0xACA00, s1;
	[dreg:$0x16] =	wrdreg s23  }
0x1d: {  	p1 =	sne.s32 s0, $0x1;
	s1 =	sadd.s32 $0xAF200, s1;
	[dreg:$0x3] =	wrdreg s8  }
0x1e: {  	s15 =	simm.s32 $0x1280;
	s24 =	sadd.s32 $0x22000, s6;
	[dreg:$0x4] =	wrdreg s1  }
.Ltmp0:
0x1f: {  	s6 =	simm.s32 $0x180;
	[dreg:$0x6] =	wrdreg s24;
	(pc) =	sbr.rel @!p1 .LBB2_3-.Ltmp0, $4  }
0x20: {  	s23 =	simm.s32 $0x1080;
	[dreg:$0x9] =	wrdreg s6;
	s8 =	simm.s32 $0x200  }
0x21: {  	s6 =	sor.u32 $0x1C02, s20;
	s24 =	simm.s32 $0x500;
	[dreg:$0xb] =	wrdreg s8  }
0x22: {  	s20 =	simm.s32 $0x800;
	s1 =	sadd.s32 $0xFFFFFFFF, s0;
	[dreg:$0x17] =	wrdreg s24  }
0x23: {  	s8 =	simm.s32 $0x80;
	s24 =	simm.s32 $0x700;
	s0 =	rddreg [dreg:$0x3]  }
0x24: {  	[tilespmem:s3], [sflag:$0x2] =	stream.linear.gather [hbm4b:s0+s3], $0xA00, $0x38;
	[tilespmem:$0xFE00] =	vst v63  }
0x25: {  	_ =	swait.ge [sflag:s5], $0xA00  }
0x26: {  	[sflag:s5] =	ssyncset.done $0x0  }
0x27: {  	s0 =	rddreg [dreg:$0x4];
	[sflag:s5] =	ssyncadd.s32 $0xFFFFF600  }
0x28: {  	[tilespmem:s31], [sflag:$0x2] =	stream.linear.gather [hbm4b:s0+s3], $0xA00, $0x38;
	[tilespmem:$0xFE00] =	vst v63  }
0x29: {  	_ =	swait.ge [sflag:s5], $0xA00  }
0x2a: {  	[sflag:s5] =	ssyncset.done $0x0  }
0x2b: {  	s0 =	rddreg [dreg:$0x5];
	[sflag:s5] =	ssyncadd.s32 $0xFFFFF600  }
0x2c: {  	[spmem:s7], [sflag:s6] =	dma.local [hbm:s0], $0xB40  }
0x2d: {  	_ =	swait.ge [sflag:s5], $0xB40  }
0x2e: {  	[sflag:s5] =	ssyncset.done $0x0  }
0x2f: {  	[sflag:s5] =	ssyncadd.s32 $0xFFFFF4C0  }
0x30: {  	[bflag:$0x0] =	sbarrier.arrive $0xFFFF  }
0x31: {  	[tilespmem:s11], [sflag:$0x1] =	stream.indirect.gather [hbm4b:s4+s8], $0x90, s3, s8, $0xb8;
	[tilespmem:$0xFE00] =	vst v63  }
0x32: {  	_ = 	snop  }
0x33: {  	[tilespmem:s10], [sflag:$0x1] =	stream.indirect.gather [hbm4b:s4+s8], $0x90, s8, s8, $0xb8;
	[tilespmem:$0xFE00] =	vst v63  }
0x34: {  	_ =	swait.ge [sflag:s9], $0x4800  }
0x35: {  	[sflag:s9] =	ssyncset.done $0x0  }
0x36: {  	[sflag:s9] =	ssyncadd.s32 $0xFFFFB800  }
0x37: {  	[spmem:s2] =	stream.indirect.scatter.add.f32 [tilespmem:s11], [sflag:$0x2], $0x90, s31, s8, $0xb8;
	[tilespmem:$0xFE00] =	vst v63  }
0x38: {  	_ =	swait.ge [sflag:s5], $0x4800  }
0x39: {  	[sflag:s5] =	ssyncset.done $0x0  }
0x3a: {  	s0 =	rddreg [dreg:$0x7];
	[sflag:s5] =	ssyncadd.s32 $0xFFFFB800  }
0x3b: {  	[tilespmem:s11], [sflag:$0x1] =	stream.indirect.gather [hbm4b:s4+s8], $0x90, s0, s8, $0xb8;
	[tilespmem:$0xFE00] =	vst v63  }
0x3c: {  	_ =	swait.ge [sflag:s9], $0x4800  }
0x3d: {  	[sflag:s9] =	ssyncset.done $0x0  }
0x3e: {  	s0 =	rddreg [dreg:$0x8];
	[sflag:s9] =	ssyncadd.s32 $0xFFFFB800  }
0x3f: {  	[spmem:s2] =	stream.indirect.scatter.add.f32 [tilespmem:s10], [sflag:$0x2], $0x90, s0, s8, $0xb8;
	[tilespmem:$0xFE00] =	vst v63  }
0x40: {  	_ =	swait.ge [sflag:s5], $0x4800  }
0x41: {  	[sflag:s5] =	ssyncset.done $0x0  }
0x42: {  	s0 =	rddreg [dreg:$0x9];
	[sflag:s5] =	ssyncadd.s32 $0xFFFFB800  }
0x43: {  	[tilespmem:s10], [sflag:$0x1] =	stream.indirect.gather [hbm4b:s4+s8], $0x90, s0, s8, $0xb8;
	[tilespmem:$0xFE00] =	vst v63  }
0x44: {  	_ =	swait.ge [sflag:s9], $0x4800  }
0x45: {  	[sflag:s9] =	ssyncset.done $0x0  }
0x46: {  	s0 =	rddreg [dreg:$0xa];
	[sflag:s9] =	ssyncadd.s32 $0xFFFFB800  }
0x47: {  	[spmem:s2] =	stream.indirect.scatter.add.f32 [tilespmem:s11], [sflag:$0x2], $0x90, s0, s8, $0xb8;
	[tilespmem:$0xFE00] =	vst v63  }
0x48: {  	_ =	swait.ge [sflag:s5], $0x4800  }
0x49: {  	[sflag:s5] =	ssyncset.done $0x0  }
0x4a: {  	s0 =	rddreg [dreg:$0xb];
	[sflag:s5] =	ssyncadd.s32 $0xFFFFB800  }
0x4b: {  	[tilespmem:s11], [sflag:$0x1] =	stream.indirect.gather [hbm4b:s4+s8], $0x90, s0, s8, $0xb8;
	[tilespmem:$0xFE00] =	vst v63  }
0x4c: {  	_ =	swait.ge [sflag:s9], $0x4800  }
0x4d: {  	[sflag:s9] =	ssyncset.done $0x0  }
0x4e: {  	s0 =	rddreg [dreg:$0xc];
	[sflag:s9] =	ssyncadd.s32 $0xFFFFB800  }
0x4f: {  	[spmem:s2] =	stream.indirect.scatter.add.f32 [tilespmem:s10], [sflag:$0x2], $0x90, s0, s8, $0xb8;
	[tilespmem:$0xFE00] =	vst v63  }
0x50: {  	_ =	swait.ge [sflag:s5], $0x4800  }
0x51: {  	[sflag:s5] =	ssyncset.done $0x0  }
0x52: {  	s0 =	rddreg [dreg:$0xd];
	[sflag:s5] =	ssyncadd.s32 $0xFFFFB800  }
0x53: {  	[tilespmem:s10], [sflag:$0x1] =	stream.indirect.gather [hbm4b:s4+s8], $0x90, s0, s8, $0xb8;
	[tilespmem:$0xFE00] =	vst v63  }
0x54: {  	_ =	swait.ge [sflag:s9], $0x4800  }
0x55: {  	[sflag:s9] =	ssyncset.done $0x0  }
0x56: {  	s0 =	rddreg [dreg:$0xe];
	[sflag:s9] =	ssyncadd.s32 $0xFFFFB800  }
0x57: {  	[spmem:s2] =	stream.indirect.scatter.add.f32 [tilespmem:s11], [sflag:$0x2], $0x90, s0, s8, $0xb8;
	[tilespmem:$0xFE00] =	vst v63  }
0x58: {  	_ =	swait.ge [sflag:s5], $0x4800  }
0x59: {  	[sflag:s5] =	ssyncset.done $0x0  }
0x5a: {  	s0 =	rddreg [dreg:$0xf];
	[sflag:s5] =	ssyncadd.s32 $0xFFFFB800  }
0x5b: {  	[tilespmem:s11], [sflag:$0x1] =	stream.indirect.gather [hbm4b:s4+s8], $0x90, s0, s8, $0xb8;
	[tilespmem:$0xFE00] =	vst v63  }
0x5c: {  	_ =	swait.ge [sflag:s9], $0x4800  }
0x5d: {  	[sflag:s9] =	ssyncset.done $0x0  }
0x5e: {  	s0 =	rddreg [dreg:$0x10];
	[sflag:s9] =	ssyncadd.s32 $0xFFFFB800  }
0x5f: {  	[spmem:s2] =	stream.indirect.scatter.add.f32 [tilespmem:s10], [sflag:$0x2], $0x90, s0, s8, $0xb8;
	[tilespmem:$0xFE00] =	vst v63  }
0x60: {  	_ =	swait.ge [sflag:s5], $0x4800  }
0x61: {  	[sflag:s5] =	ssyncset.done $0x0  }
0x62: {  	s0 =	rddreg [dreg:$0x11];
	[sflag:s5] =	ssyncadd.s32 $0xFFFFB800  }
0x63: {  	[tilespmem:s10], [sflag:$0x1] =	stream.indirect.gather [hbm4b:s4+s8], $0x90, s0, s8, $0xb8;
	[tilespmem:$0xFE00] =	vst v63  }
0x64: {  	_ =	swait.ge [sflag:s9], $0x4800  }
0x65: {  	[sflag:s9] =	ssyncset.done $0x0  }
0x66: {  	s0 =	rddreg [dreg:$0x12];
	[sflag:s9] =	ssyncadd.s32 $0xFFFFB800  }
0x67: {  	[spmem:s2] =	stream.indirect.scatter.add.f32 [tilespmem:s11], [sflag:$0x2], $0x90, s0, s8, $0xb8;
	[tilespmem:$0xFE00] =	vst v63  }
0x68: {  	_ =	swait.ge [sflag:s5], $0x4800  }
0x69: {  	[sflag:s5] =	ssyncset.done $0x0  }
0x6a: {  	s0 =	rddreg [dreg:$0x13];
	[sflag:s5] =	ssyncadd.s32 $0xFFFFB800  }
0x6b: {  	[tilespmem:s11], [sflag:$0x1] =	stream.indirect.gather [hbm4b:s4+s8], $0x90, s0, s8, $0xb8;
	[tilespmem:$0xFE00] =	vst v63  }
0x6c: {  	_ =	swait.ge [sflag:s9], $0x4800  }
0x6d: {  	[sflag:s9] =	ssyncset.done $0x0  }
0x6e: {  	s0 =	rddreg [dreg:$0x14];
	[sflag:s9] =	ssyncadd.s32 $0xFFFFB800  }
0x6f: {  	[spmem:s2] =	stream.indirect.scatter.add.f32 [tilespmem:s10], [sflag:$0x2], $0x90, s0, s8, $0xb8;
	[tilespmem:$0xFE00] =	vst v63  }
0x70: {  	_ =	swait.ge [sflag:s5], $0x4800  }
0x71: {  	[sflag:s5] =	ssyncset.done $0x0  }
0x72: {  	s0 =	rddreg [dreg:$0x15];
	[sflag:s5] =	ssyncadd.s32 $0xFFFFB800  }
0x73: {  	[tilespmem:s10], [sflag:$0x1] =	stream.indirect.gather [hbm4b:s4+s8], $0x90, s0, s8, $0xb8;
	[tilespmem:$0xFE00] =	vst v63  }
0x74: {  	_ =	swait.ge [sflag:s9], $0x4800  }
0x75: {  	[sflag:s9] =	ssyncset.done $0x0  }
0x76: {  	s0 =	rddreg [dreg:$0x16];
	[sflag:s9] =	ssyncadd.s32 $0xFFFFB800  }
0x77: {  	[spmem:s2] =	stream.indirect.scatter.add.f32 [tilespmem:s11], [sflag:$0x2], $0x90, s0, s8, $0xb8;
	[tilespmem:$0xFE00] =	vst v63  }
0x78: {  	_ =	swait.ge [sflag:s5], $0x4800  }
0x79: {  	[sflag:s5] =	ssyncset.done $0x0  }
0x7a: {  	s0 =	rddreg [dreg:$0x17];
	[sflag:s5] =	ssyncadd.s32 $0xFFFFB800  }
0x7b: {  	[tilespmem:s11], [sflag:$0x1] =	stream.indirect.gather [hbm4b:s4+s8], $0x90, s0, s8, $0xb8;
	[tilespmem:$0xFE00] =	vst v63  }
0x7c: {  	_ =	swait.ge [sflag:s9], $0x4800  }
0x7d: {  	[sflag:s9] =	ssyncset.done $0x0  }
0x7e: {  	s0 =	rddreg [dreg:$0x18];
	[sflag:s9] =	ssyncadd.s32 $0xFFFFB800  }
0x7f: {  	[spmem:s2] =	stream.indirect.scatter.add.f32 [tilespmem:s10], [sflag:$0x2], $0x90, s0, s8, $0xb8;
	[tilespmem:$0xFE00] =	vst v63  }
0x80: {  	_ =	swait.ge [sflag:s5], $0x4800  }
0x81: {  	[sflag:s5] =	ssyncset.done $0x0  }
0x82: {  	s0 =	rddreg [dreg:$0x19];
	[sflag:s5] =	ssyncadd.s32 $0xFFFFB800  }
0x83: {  	[tilespmem:s10], [sflag:$0x1] =	stream.indirect.gather [hbm4b:s4+s8], $0x90, s0, s8, $0xb8;
	[tilespmem:$0xFE00] =	vst v63  }
0x84: {  	_ =	swait.ge [sflag:s9], $0x4800  }
0x85: {  	[sflag:s9] =	ssyncset.done $0x0  }
0x86: {  	[sflag:s9] =	ssyncadd.s32 $0xFFFFB800  }
0x87: {  	[spmem:s2] =	stream.indirect.scatter.add.f32 [tilespmem:s11], [sflag:$0x2], $0x90, s30, s8, $0xb8;
	[tilespmem:$0xFE00] =	vst v63  }
0x88: {  	_ =	swait.ge [sflag:s5], $0x4800  }
0x89: {  	[sflag:s5] =	ssyncset.done $0x0  }
0x8a: {  	[sflag:s5] =	ssyncadd.s32 $0xFFFFB800  }
0x8b: {  	[tilespmem:s11], [sflag:$0x1] =	stream.indirect.gather [hbm4b:s4+s8], $0x90, s29, s8, $0xb8;
	[tilespmem:$0xFE00] =	vst v63  }
0x8c: {  	_ =	swait.ge [sflag:s9], $0x4800  }
0x8d: {  	[sflag:s9] =	ssyncset.done $0x0  }
0x8e: {  	[sflag:s9] =	ssyncadd.s32 $0xFFFFB800  }
0x8f: {  	[spmem:s2] =	stream.indirect.scatter.add.f32 [tilespmem:s10], [sflag:$0x2], $0x90, s28, s8, $0xb8;
	[tilespmem:$0xFE00] =	vst v63  }
0x90: {  	_ =	swait.ge [sflag:s5], $0x4800  }
0x91: {  	[sflag:s5] =	ssyncset.done $0x0  }
0x92: {  	[sflag:s5] =	ssyncadd.s32 $0xFFFFB800  }
0x93: {  	[tilespmem:s10], [sflag:$0x1] =	stream.indirect.gather [hbm4b:s4+s8], $0x90, s26, s8, $0xb8;
	[tilespmem:$0xFE00] =	vst v63  }
0x94: {  	_ =	swait.ge [sflag:s9], $0x4800  }
0x95: {  	[sflag:s9] =	ssyncset.done $0x0  }
0x96: {  	[sflag:s9] =	ssyncadd.s32 $0xFFFFB800  }
0x97: {  	[spmem:s2] =	stream.indirect.scatter.add.f32 [tilespmem:s11], [sflag:$0x2], $0x90, s25, s8, $0xb8;
	[tilespmem:$0xFE00] =	vst v63  }
0x98: {  	_ =	swait.ge [sflag:s5], $0x4800  }
0x99: {  	[sflag:s5] =	ssyncset.done $0x0  }
0x9a: {  	[sflag:s5] =	ssyncadd.s32 $0xFFFFB800  }
0x9b: {  	[tilespmem:s11], [sflag:$0x1] =	stream.indirect.gather [hbm4b:s4+s8], $0x90, s24, s8, $0xb8;
	[tilespmem:$0xFE00] =	vst v63  }
0x9c: {  	_ =	swait.ge [sflag:s9], $0x4800  }
0x9d: {  	[sflag:s9] =	ssyncset.done $0x0  }
0x9e: {  	[sflag:s9] =	ssyncadd.s32 $0xFFFFB800  }
0x9f: {  	[spmem:s2] =	stream.indirect.scatter.add.f32 [tilespmem:s10], [sflag:$0x2], $0x90, s23, s8, $0xb8;
	[tilespmem:$0xFE00] =	vst v63  }
0xa0: {  	_ =	swait.ge [sflag:s5], $0x4800  }
0xa1: {  	[sflag:s5] =	ssyncset.done $0x0  }
0xa2: {  	[sflag:s5] =	ssyncadd.s32 $0xFFFFB800  }
0xa3: {  	[tilespmem:s10], [sflag:$0x1] =	stream.indirect.gather [hbm4b:s4+s8], $0x90, s22, s8, $0xb8;
	[tilespmem:$0xFE00] =	vst v63  }
0xa4: {  	_ =	swait.ge [sflag:s9], $0x4800  }
0xa5: {  	[sflag:s9] =	ssyncset.done $0x0  }
0xa6: {  	[sflag:s9] =	ssyncadd.s32 $0xFFFFB800  }
0xa7: {  	[spmem:s2] =	stream.indirect.scatter.add.f32 [tilespmem:s11], [sflag:$0x2], $0x90, s21, s8, $0xb8;
	[tilespmem:$0xFE00] =	vst v63  }
0xa8: {  	_ =	swait.ge [sflag:s5], $0x4800  }
0xa9: {  	[sflag:s5] =	ssyncset.done $0x0  }
0xaa: {  	[sflag:s5] =	ssyncadd.s32 $0xFFFFB800  }
0xab: {  	[tilespmem:s11], [sflag:$0x1] =	stream.indirect.gather [hbm4b:s4+s8], $0x90, s20, s8, $0xb8;
	[tilespmem:$0xFE00] =	vst v63  }
0xac: {  	_ =	swait.ge [sflag:s9], $0x4800  }
0xad: {  	[sflag:s9] =	ssyncset.done $0x0  }
0xae: {  	[sflag:s9] =	ssyncadd.s32 $0xFFFFB800  }
0xaf: {  	[spmem:s2] =	stream.indirect.scatter.add.f32 [tilespmem:s10], [sflag:$0x2], $0x90, s19, s8, $0xb8;
	[tilespmem:$0xFE00] =	vst v63  }
0xb0: {  	_ =	swait.ge [sflag:s5], $0x4800  }
0xb1: {  	[sflag:s5] =	ssyncset.done $0x0  }
0xb2: {  	[sflag:s5] =	ssyncadd.s32 $0xFFFFB800  }
0xb3: {  	[tilespmem:s10], [sflag:$0x1] =	stream.indirect.gather [hbm4b:s4+s8], $0x90, s17, s8, $0xb8;
	[tilespmem:$0xFE00] =	vst v63  }
0xb4: {  	_ =	swait.ge [sflag:s9], $0x4800  }
0xb5: {  	[sflag:s9] =	ssyncset.done $0x0  }
0xb6: {  	[sflag:s9] =	ssyncadd.s32 $0xFFFFB800  }
0xb7: {  	[spmem:s2] =	stream.indirect.scatter.add.f32 [tilespmem:s11], [sflag:$0x2], $0x90, s18, s8, $0xb8;
	[tilespmem:$0xFE00] =	vst v63  }
0xb8: {  	_ =	swait.ge [sflag:s5], $0x4800  }
0xb9: {  	[sflag:s5] =	ssyncset.done $0x0  }
0xba: {  	[sflag:s5] =	ssyncadd.s32 $0xFFFFB800  }
0xbb: {  	[tilespmem:s11], [sflag:$0x1] =	stream.indirect.gather [hbm4b:s4+s8], $0x90, s16, s8, $0xb8;
	[tilespmem:$0xFE00] =	vst v63  }
0xbc: {  	_ =	swait.ge [sflag:s9], $0x4800  }
0xbd: {  	[sflag:s9] =	ssyncset.done $0x0  }
0xbe: {  	[sflag:s9] =	ssyncadd.s32 $0xFFFFB800  }
0xbf: {  	[spmem:s2] =	stream.indirect.scatter.add.f32 [tilespmem:s10], [sflag:$0x2], $0x90, s15, s8, $0xb8;
	[tilespmem:$0xFE00] =	vst v63  }
0xc0: {  	_ =	swait.ge [sflag:s5], $0x4800  }
0xc1: {  	[sflag:s5] =	ssyncset.done $0x0  }
0xc2: {  	[sflag:s5] =	ssyncadd.s32 $0xFFFFB800  }
0xc3: {  	[tilespmem:s10], [sflag:$0x1] =	stream.indirect.gather [hbm4b:s4+s8], $0x90, s14, s8, $0xb8;
	[tilespmem:$0xFE00] =	vst v63  }
0xc4: {  	_ =	swait.ge [sflag:s9], $0x4800  }
0xc5: {  	[sflag:s9] =	ssyncset.done $0x0  }
0xc6: {  	[sflag:s9] =	ssyncadd.s32 $0xFFFFB800  }
0xc7: {  	[spmem:s2] =	stream.indirect.scatter.add.f32 [tilespmem:s11], [sflag:$0x2], $0x90, s13, s8, $0xb8;
	[tilespmem:$0xFE00] =	vst v63  }
0xc8: {  	_ =	swait.ge [sflag:s5], $0x4800  }
0xc9: {  	[sflag:s5] =	ssyncset.done $0x0  }
0xca: {  	[sflag:s5] =	ssyncadd.s32 $0xFFFFB800  }
0xcb: {  	[tilespmem:s11], [sflag:$0x1] =	stream.indirect.gather [hbm4b:s4+s8], $0x90, s3, s8, $0xb8;
	[tilespmem:$0xFE00] =	vst v63  }
0xcc: {  	_ =	swait.ge [sflag:s9], $0x4800  }
0xcd: {  	[sflag:s9] =	ssyncset.done $0x0  }
0xce: {  	[sflag:s9] =	ssyncadd.s32 $0xFFFFB800  }
0xcf: {  	[spmem:s2] =	stream.indirect.scatter.add.f32 [tilespmem:s10], [sflag:$0x2], $0x90, s12, s8, $0xb8;
	[tilespmem:$0xFE00] =	vst v63  }
0xd0: {  	_ =	swait.ge [sflag:s5], $0x4800  }
0xd1: {  	[sflag:s5] =	ssyncset.done $0x0  }
0xd2: {  	[sflag:s5] =	ssyncadd.s32 $0xFFFFB800  }
0xd3: {  	_ =	swait.ge [sflag:s9], $0x4800  }
0xd4: {  	[sflag:s9] =	ssyncset.done $0x0  }
0xd5: {  	p1 =	sne.s32 s1, $0x1;
	[sflag:s9] =	ssyncadd.s32 $0xFFFFB800  }
.Ltmp1:
0xd6: {  	[bflag:$0x0] =	sbarrier.arrive $0xFFFF;
	(pc) =	sbr.rel @!p1 .LBB2_3-.Ltmp1, $4  }
0xd7: {  	s0 =	rddreg [dreg:$0x6]  }
0xd8: {  	[hbm:s0], [sflag:s6] =	dma.local [spmem:s7], $0xB40  }
0xd9: {  	s1 =	sadd.s32 $0xFFFFFFFF, s1;
	_ =	swait.ge [sflag:s5], $0xB40  }
0xda: {  	p0 =	por $0x1, $0x1;
	s0 =	rddreg [dreg:$0x3];
	[sflag:s5] =	ssyncset.done $0x0  }
.LBB2_2:
0xdb: {  	[sflag:s5] =	ssyncadd.s32 $0xFFFFF4C0  }
0xdc: {  	[tilespmem:s3], [sflag:$0x2] =	stream.linear.gather [hbm4b:s0+s3], $0xA00, $0x38;
	[tilespmem:$0xFE00] =	vst v63  }
0xdd: {  	_ =	swait.ge [sflag:s5], $0xA00  }
0xde: {  	[sflag:s5] =	ssyncset.done $0x0  }
0xdf: {  	s0 =	rddreg [dreg:$0x4];
	[sflag:s5] =	ssyncadd.s32 $0xFFFFF600  }
0xe0: {  	[tilespmem:s31], [sflag:$0x2] =	stream.linear.gather [hbm4b:s0+s3], $0xA00, $0x38;
	[tilespmem:$0xFE00] =	vst v63  }
0xe1: {  	_ =	swait.ge [sflag:s5], $0xA00  }
0xe2: {  	[sflag:s5] =	ssyncset.done $0x0  }
0xe3: {  	s0 =	rddreg [dreg:$0x5];
	[sflag:s5] =	ssyncadd.s32 $0xFFFFF600  }
0xe4: {  	[spmem:s7], [sflag:s6] =	dma.local [hbm:s0], $0xB40  }
0xe5: {  	_ =	swait.ge [sflag:s5], $0xB40  }
0xe6: {  	[sflag:s5] =	ssyncset.done $0x0  }
0xe7: {  	[sflag:s5] =	ssyncadd.s32 $0xFFFFF4C0  }
0xe8: {  	[bflag:$0x0] =	sbarrier.arrive $0xFFFF  }
0xe9: {  	[tilespmem:s11], [sflag:$0x1] =	stream.indirect.gather [hbm4b:s4+s8], $0x90, s3, s8, $0xb8;
	[tilespmem:$0xFE00] =	vst v63  }
0xea: {  	_ = 	snop  }
0xeb: {  	[tilespmem:s10], [sflag:$0x1] =	stream.indirect.gather [hbm4b:s4+s8], $0x90, s8, s8, $0xb8;
	[tilespmem:$0xFE00] =	vst v63  }
0xec: {  	_ =	swait.ge [sflag:s9], $0x4800  }
0xed: {  	[sflag:s9] =	ssyncset.done $0x0  }
0xee: {  	[sflag:s9] =	ssyncadd.s32 $0xFFFFB800  }
0xef: {  	[spmem:s2] =	stream.indirect.scatter.add.f32 [tilespmem:s11], [sflag:$0x2], $0x90, s31, s8, $0xb8;
	[tilespmem:$0xFE00] =	vst v63  }
0xf0: {  	_ =	swait.ge [sflag:s5], $0x4800  }
0xf1: {  	[sflag:s5] =	ssyncset.done $0x0  }
0xf2: {  	s0 =	rddreg [dreg:$0x7];
	[sflag:s5] =	ssyncadd.s32 $0xFFFFB800  }
0xf3: {  	[tilespmem:s11], [sflag:$0x1] =	stream.indirect.gather [hbm4b:s4+s8], $0x90, s0, s8, $0xb8;
	[tilespmem:$0xFE00] =	vst v63  }
0xf4: {  	_ =	swait.ge [sflag:s9], $0x4800  }
0xf5: {  	[sflag:s9] =	ssyncset.done $0x0  }
0xf6: {  	s0 =	rddreg [dreg:$0x8];
	[sflag:s9] =	ssyncadd.s32 $0xFFFFB800  }
0xf7: {  	[spmem:s2] =	stream.indirect.scatter.add.f32 [tilespmem:s10], [sflag:$0x2], $0x90, s0, s8, $0xb8;
	[tilespmem:$0xFE00] =	vst v63  }
0xf8: {  	_ =	swait.ge [sflag:s5], $0x4800  }
0xf9: {  	[sflag:s5] =	ssyncset.done $0x0  }
0xfa: {  	s0 =	rddreg [dreg:$0x9];
	[sflag:s5] =	ssyncadd.s32 $0xFFFFB800  }
0xfb: {  	[tilespmem:s10], [sflag:$0x1] =	stream.indirect.gather [hbm4b:s4+s8], $0x90, s0, s8, $0xb8;
	[tilespmem:$0xFE00] =	vst v63  }
0xfc: {  	_ =	swait.ge [sflag:s9], $0x4800  }
0xfd: {  	[sflag:s9] =	ssyncset.done $0x0  }
0xfe: {  	s0 =	rddreg [dreg:$0xa];
	[sflag:s9] =	ssyncadd.s32 $0xFFFFB800  }
0xff: {  	[spmem:s2] =	stream.indirect.scatter.add.f32 [tilespmem:s11], [sflag:$0x2], $0x90, s0, s8, $0xb8;
	[tilespmem:$0xFE00] =	vst v63  }
0x100: {  	_ =	swait.ge [sflag:s5], $0x4800  }
0x101: {  	[sflag:s5] =	ssyncset.done $0x0  }
0x102: {  	s0 =	rddreg [dreg:$0xb];
	[sflag:s5] =	ssyncadd.s32 $0xFFFFB800  }
0x103: {  	[tilespmem:s11], [sflag:$0x1] =	stream.indirect.gather [hbm4b:s4+s8], $0x90, s0, s8, $0xb8;
	[tilespmem:$0xFE00] =	vst v63  }
0x104: {  	_ =	swait.ge [sflag:s9], $0x4800  }
0x105: {  	[sflag:s9] =	ssyncset.done $0x0  }
0x106: {  	s0 =	rddreg [dreg:$0xc];
	[sflag:s9] =	ssyncadd.s32 $0xFFFFB800  }
0x107: {  	[spmem:s2] =	stream.indirect.scatter.add.f32 [tilespmem:s10], [sflag:$0x2], $0x90, s0, s8, $0xb8;
	[tilespmem:$0xFE00] =	vst v63  }
0x108: {  	_ =	swait.ge [sflag:s5], $0x4800  }
0x109: {  	[sflag:s5] =	ssyncset.done $0x0  }
0x10a: {  	s0 =	rddreg [dreg:$0xd];
	[sflag:s5] =	ssyncadd.s32 $0xFFFFB800  }
0x10b: {  	[tilespmem:s10], [sflag:$0x1] =	stream.indirect.gather [hbm4b:s4+s8], $0x90, s0, s8, $0xb8;
	[tilespmem:$0xFE00] =	vst v63  }
0x10c: {  	_ =	swait.ge [sflag:s9], $0x4800  }
0x10d: {  	[sflag:s9] =	ssyncset.done $0x0  }
0x10e: {  	s0 =	rddreg [dreg:$0xe];
	[sflag:s9] =	ssyncadd.s32 $0xFFFFB800  }
0x10f: {  	[spmem:s2] =	stream.indirect.scatter.add.f32 [tilespmem:s11], [sflag:$0x2], $0x90, s0, s8, $0xb8;
	[tilespmem:$0xFE00] =	vst v63  }
0x110: {  	_ =	swait.ge [sflag:s5], $0x4800  }
0x111: {  	[sflag:s5] =	ssyncset.done $0x0  }
0x112: {  	s0 =	rddreg [dreg:$0xf];
	[sflag:s5] =	ssyncadd.s32 $0xFFFFB800  }
0x113: {  	[tilespmem:s11], [sflag:$0x1] =	stream.indirect.gather [hbm4b:s4+s8], $0x90, s0, s8, $0xb8;
	[tilespmem:$0xFE00] =	vst v63  }
0x114: {  	_ =	swait.ge [sflag:s9], $0x4800  }
0x115: {  	[sflag:s9] =	ssyncset.done $0x0  }
0x116: {  	s0 =	rddreg [dreg:$0x10];
	[sflag:s9] =	ssyncadd.s32 $0xFFFFB800  }
0x117: {  	[spmem:s2] =	stream.indirect.scatter.add.f32 [tilespmem:s10], [sflag:$0x2], $0x90, s0, s8, $0xb8;
	[tilespmem:$0xFE00] =	vst v63  }
0x118: {  	_ =	swait.ge [sflag:s5], $0x4800  }
0x119: {  	[sflag:s5] =	ssyncset.done $0x0  }
0x11a: {  	s0 =	rddreg [dreg:$0x11];
	[sflag:s5] =	ssyncadd.s32 $0xFFFFB800  }
0x11b: {  	[tilespmem:s10], [sflag:$0x1] =	stream.indirect.gather [hbm4b:s4+s8], $0x90, s0, s8, $0xb8;
	[tilespmem:$0xFE00] =	vst v63  }
0x11c: {  	_ =	swait.ge [sflag:s9], $0x4800  }
0x11d: {  	[sflag:s9] =	ssyncset.done $0x0  }
0x11e: {  	s0 =	rddreg [dreg:$0x12];
	[sflag:s9] =	ssyncadd.s32 $0xFFFFB800  }
0x11f: {  	[spmem:s2] =	stream.indirect.scatter.add.f32 [tilespmem:s11], [sflag:$0x2], $0x90, s0, s8, $0xb8;
	[tilespmem:$0xFE00] =	vst v63  }
0x120: {  	_ =	swait.ge [sflag:s5], $0x4800  }
0x121: {  	[sflag:s5] =	ssyncset.done $0x0  }
0x122: {  	s0 =	rddreg [dreg:$0x13];
	[sflag:s5] =	ssyncadd.s32 $0xFFFFB800  }
0x123: {  	[tilespmem:s11], [sflag:$0x1] =	stream.indirect.gather [hbm4b:s4+s8], $0x90, s0, s8, $0xb8;
	[tilespmem:$0xFE00] =	vst v63  }
0x124: {  	_ =	swait.ge [sflag:s9], $0x4800  }
0x125: {  	[sflag:s9] =	ssyncset.done $0x0  }
0x126: {  	s0 =	rddreg [dreg:$0x14];
	[sflag:s9] =	ssyncadd.s32 $0xFFFFB800  }
0x127: {  	[spmem:s2] =	stream.indirect.scatter.add.f32 [tilespmem:s10], [sflag:$0x2], $0x90, s0, s8, $0xb8;
	[tilespmem:$0xFE00] =	vst v63  }
0x128: {  	_ =	swait.ge [sflag:s5], $0x4800  }
0x129: {  	[sflag:s5] =	ssyncset.done $0x0  }
0x12a: {  	s0 =	rddreg [dreg:$0x15];
	[sflag:s5] =	ssyncadd.s32 $0xFFFFB800  }
0x12b: {  	[tilespmem:s10], [sflag:$0x1] =	stream.indirect.gather [hbm4b:s4+s8], $0x90, s0, s8, $0xb8;
	[tilespmem:$0xFE00] =	vst v63  }
0x12c: {  	_ =	swait.ge [sflag:s9], $0x4800  }
0x12d: {  	[sflag:s9] =	ssyncset.done $0x0  }
0x12e: {  	s0 =	rddreg [dreg:$0x16];
	[sflag:s9] =	ssyncadd.s32 $0xFFFFB800  }
0x12f: {  	[spmem:s2] =	stream.indirect.scatter.add.f32 [tilespmem:s11], [sflag:$0x2], $0x90, s0, s8, $0xb8;
	[tilespmem:$0xFE00] =	vst v63  }
0x130: {  	_ =	swait.ge [sflag:s5], $0x4800  }
0x131: {  	[sflag:s5] =	ssyncset.done $0x0  }
0x132: {  	s0 =	rddreg [dreg:$0x17];
	[sflag:s5] =	ssyncadd.s32 $0xFFFFB800  }
0x133: {  	[tilespmem:s11], [sflag:$0x1] =	stream.indirect.gather [hbm4b:s4+s8], $0x90, s0, s8, $0xb8;
	[tilespmem:$0xFE00] =	vst v63  }
0x134: {  	_ =	swait.ge [sflag:s9], $0x4800  }
0x135: {  	[sflag:s9] =	ssyncset.done $0x0  }
0x136: {  	s0 =	rddreg [dreg:$0x18];
	[sflag:s9] =	ssyncadd.s32 $0xFFFFB800  }
0x137: {  	[spmem:s2] =	stream.indirect.scatter.add.f32 [tilespmem:s10], [sflag:$0x2], $0x90, s0, s8, $0xb8;
	[tilespmem:$0xFE00] =	vst v63  }
0x138: {  	_ =	swait.ge [sflag:s5], $0x4800  }
0x139: {  	[sflag:s5] =	ssyncset.done $0x0  }
0x13a: {  	s0 =	rddreg [dreg:$0x19];
	[sflag:s5] =	ssyncadd.s32 $0xFFFFB800  }
0x13b: {  	[tilespmem:s10], [sflag:$0x1] =	stream.indirect.gather [hbm4b:s4+s8], $0x90, s0, s8, $0xb8;
	[tilespmem:$0xFE00] =	vst v63  }
0x13c: {  	_ =	swait.ge [sflag:s9], $0x4800  }
0x13d: {  	[sflag:s9] =	ssyncset.done $0x0  }
0x13e: {  	[sflag:s9] =	ssyncadd.s32 $0xFFFFB800  }
0x13f: {  	[spmem:s2] =	stream.indirect.scatter.add.f32 [tilespmem:s11], [sflag:$0x2], $0x90, s30, s8, $0xb8;
	[tilespmem:$0xFE00] =	vst v63  }
0x140: {  	_ =	swait.ge [sflag:s5], $0x4800  }
0x141: {  	[sflag:s5] =	ssyncset.done $0x0  }
0x142: {  	[sflag:s5] =	ssyncadd.s32 $0xFFFFB800  }
0x143: {  	[tilespmem:s11], [sflag:$0x1] =	stream.indirect.gather [hbm4b:s4+s8], $0x90, s29, s8, $0xb8;
	[tilespmem:$0xFE00] =	vst v63  }
0x144: {  	_ =	swait.ge [sflag:s9], $0x4800  }
0x145: {  	[sflag:s9] =	ssyncset.done $0x0  }
0x146: {  	[sflag:s9] =	ssyncadd.s32 $0xFFFFB800  }
0x147: {  	[spmem:s2] =	stream.indirect.scatter.add.f32 [tilespmem:s10], [sflag:$0x2], $0x90, s28, s8, $0xb8;
	[tilespmem:$0xFE00] =	vst v63  }
0x148: {  	_ =	swait.ge [sflag:s5], $0x4800  }
0x149: {  	[sflag:s5] =	ssyncset.done $0x0  }
0x14a: {  	[sflag:s5] =	ssyncadd.s32 $0xFFFFB800  }
0x14b: {  	[tilespmem:s10], [sflag:$0x1] =	stream.indirect.gather [hbm4b:s4+s8], $0x90, s26, s8, $0xb8;
	[tilespmem:$0xFE00] =	vst v63  }
0x14c: {  	_ =	swait.ge [sflag:s9], $0x4800  }
0x14d: {  	[sflag:s9] =	ssyncset.done $0x0  }
0x14e: {  	[sflag:s9] =	ssyncadd.s32 $0xFFFFB800  }
0x14f: {  	[spmem:s2] =	stream.indirect.scatter.add.f32 [tilespmem:s11], [sflag:$0x2], $0x90, s25, s8, $0xb8;
	[tilespmem:$0xFE00] =	vst v63  }
0x150: {  	_ =	swait.ge [sflag:s5], $0x4800  }
0x151: {  	[sflag:s5] =	ssyncset.done $0x0  }
0x152: {  	[sflag:s5] =	ssyncadd.s32 $0xFFFFB800  }
0x153: {  	[tilespmem:s11], [sflag:$0x1] =	stream.indirect.gather [hbm4b:s4+s8], $0x90, s24, s8, $0xb8;
	[tilespmem:$0xFE00] =	vst v63  }
0x154: {  	_ =	swait.ge [sflag:s9], $0x4800  }
0x155: {  	[sflag:s9] =	ssyncset.done $0x0  }
0x156: {  	[sflag:s9] =	ssyncadd.s32 $0xFFFFB800  }
0x157: {  	[spmem:s2] =	stream.indirect.scatter.add.f32 [tilespmem:s10], [sflag:$0x2], $0x90, s23, s8, $0xb8;
	[tilespmem:$0xFE00] =	vst v63  }
0x158: {  	_ =	swait.ge [sflag:s5], $0x4800  }
0x159: {  	[sflag:s5] =	ssyncset.done $0x0  }
0x15a: {  	[sflag:s5] =	ssyncadd.s32 $0xFFFFB800  }
0x15b: {  	[tilespmem:s10], [sflag:$0x1] =	stream.indirect.gather [hbm4b:s4+s8], $0x90, s22, s8, $0xb8;
	[tilespmem:$0xFE00] =	vst v63  }
0x15c: {  	_ =	swait.ge [sflag:s9], $0x4800  }
0x15d: {  	[sflag:s9] =	ssyncset.done $0x0  }
0x15e: {  	[sflag:s9] =	ssyncadd.s32 $0xFFFFB800  }
0x15f: {  	[spmem:s2] =	stream.indirect.scatter.add.f32 [tilespmem:s11], [sflag:$0x2], $0x90, s21, s8, $0xb8;
	[tilespmem:$0xFE00] =	vst v63  }
0x160: {  	_ =	swait.ge [sflag:s5], $0x4800  }
0x161: {  	[sflag:s5] =	ssyncset.done $0x0  }
0x162: {  	[sflag:s5] =	ssyncadd.s32 $0xFFFFB800  }
0x163: {  	[tilespmem:s11], [sflag:$0x1] =	stream.indirect.gather [hbm4b:s4+s8], $0x90, s20, s8, $0xb8;
	[tilespmem:$0xFE00] =	vst v63  }
0x164: {  	_ =	swait.ge [sflag:s9], $0x4800  }
0x165: {  	[sflag:s9] =	ssyncset.done $0x0  }
0x166: {  	[sflag:s9] =	ssyncadd.s32 $0xFFFFB800  }
0x167: {  	[spmem:s2] =	stream.indirect.scatter.add.f32 [tilespmem:s10], [sflag:$0x2], $0x90, s19, s8, $0xb8;
	[tilespmem:$0xFE00] =	vst v63  }
0x168: {  	_ =	swait.ge [sflag:s5], $0x4800  }
0x169: {  	[sflag:s5] =	ssyncset.done $0x0  }
0x16a: {  	[sflag:s5] =	ssyncadd.s32 $0xFFFFB800  }
0x16b: {  	[tilespmem:s10], [sflag:$0x1] =	stream.indirect.gather [hbm4b:s4+s8], $0x90, s17, s8, $0xb8;
	[tilespmem:$0xFE00] =	vst v63  }
0x16c: {  	_ =	swait.ge [sflag:s9], $0x4800  }
0x16d: {  	[sflag:s9] =	ssyncset.done $0x0  }
0x16e: {  	[sflag:s9] =	ssyncadd.s32 $0xFFFFB800  }
0x16f: {  	[spmem:s2] =	stream.indirect.scatter.add.f32 [tilespmem:s11], [sflag:$0x2], $0x90, s18, s8, $0xb8;
	[tilespmem:$0xFE00] =	vst v63  }
0x170: {  	_ =	swait.ge [sflag:s5], $0x4800  }
0x171: {  	[sflag:s5] =	ssyncset.done $0x0  }
0x172: {  	[sflag:s5] =	ssyncadd.s32 $0xFFFFB800  }
0x173: {  	[tilespmem:s11], [sflag:$0x1] =	stream.indirect.gather [hbm4b:s4+s8], $0x90, s16, s8, $0xb8;
	[tilespmem:$0xFE00] =	vst v63  }
0x174: {  	_ =	swait.ge [sflag:s9], $0x4800  }
0x175: {  	[sflag:s9] =	ssyncset.done $0x0  }
0x176: {  	[sflag:s9] =	ssyncadd.s32 $0xFFFFB800  }
0x177: {  	[spmem:s2] =	stream.indirect.scatter.add.f32 [tilespmem:s10], [sflag:$0x2], $0x90, s15, s8, $0xb8;
	[tilespmem:$0xFE00] =	vst v63  }
0x178: {  	_ =	swait.ge [sflag:s5], $0x4800  }
0x179: {  	[sflag:s5] =	ssyncset.done $0x0  }
0x17a: {  	[sflag:s5] =	ssyncadd.s32 $0xFFFFB800  }
0x17b: {  	[tilespmem:s10], [sflag:$0x1] =	stream.indirect.gather [hbm4b:s4+s8], $0x90, s14, s8, $0xb8;
	[tilespmem:$0xFE00] =	vst v63  }
0x17c: {  	_ =	swait.ge [sflag:s9], $0x4800  }
0x17d: {  	[sflag:s9] =	ssyncset.done $0x0  }
0x17e: {  	[sflag:s9] =	ssyncadd.s32 $0xFFFFB800  }
0x17f: {  	[spmem:s2] =	stream.indirect.scatter.add.f32 [tilespmem:s11], [sflag:$0x2], $0x90, s13, s8, $0xb8;
	[tilespmem:$0xFE00] =	vst v63  }
0x180: {  	_ =	swait.ge [sflag:s5], $0x4800  }
0x181: {  	[sflag:s5] =	ssyncset.done $0x0  }
0x182: {  	[sflag:s5] =	ssyncadd.s32 $0xFFFFB800  }
0x183: {  	[tilespmem:s11], [sflag:$0x1] =	stream.indirect.gather [hbm4b:s4+s8], $0x90, s3, s8, $0xb8;
	[tilespmem:$0xFE00] =	vst v63  }
0x184: {  	_ =	swait.ge [sflag:s9], $0x4800  }
0x185: {  	[sflag:s9] =	ssyncset.done $0x0  }
0x186: {  	[sflag:s9] =	ssyncadd.s32 $0xFFFFB800  }
0x187: {  	[spmem:s2] =	stream.indirect.scatter.add.f32 [tilespmem:s10], [sflag:$0x2], $0x90, s12, s8, $0xb8;
	[tilespmem:$0xFE00] =	vst v63  }
0x188: {  	_ =	swait.ge [sflag:s5], $0x4800  }
0x189: {  	[sflag:s5] =	ssyncset.done $0x0  }
0x18a: {  	[sflag:s5] =	ssyncadd.s32 $0xFFFFB800  }
0x18b: {  	_ =	swait.ge [sflag:s9], $0x4800  }
0x18c: {  	[sflag:s9] =	ssyncset.done $0x0  }
0x18d: {  	p1 =	sne.s32 s1, $0x1;
	[sflag:s9] =	ssyncadd.s32 $0xFFFFB800  }
.Ltmp2:
0x18e: {  	[bflag:$0x0] =	sbarrier.arrive $0xFFFF;
	(pc) =	sbr.rel @p1 .LBB2_2-.Ltmp2, $4  }
0x18f: {  	s0 =	rddreg [dreg:$0x6]  }
0x190: {  	[hbm:s0], [sflag:s6] =	dma.local [spmem:s7], $0xB40  }
0x191: {  	_ =	swait.ge [sflag:s5], $0xB40  }
0x192: {  	s1 =	sadd.s32 $0xFFFFFFFF, s1;
	s0 =	rddreg [dreg:$0x3];
	[sflag:s5] =	ssyncset.done $0x0  }
.LBB2_3:
0x193: {  	[sflag:s5] =	ssyncadd.s32 @p0 $0xFFFFF4C0  }
0x194: {  	[tilespmem:s3], [sflag:$0x2] =	stream.linear.gather [hbm4b:s0+s3], $0xA00, $0x38;
	[tilespmem:$0xFE00] =	vst v63  }
0x195: {  	_ =	swait.ge [sflag:s5], $0xA00  }
0x196: {  	[sflag:s5] =	ssyncset.done $0x0  }
0x197: {  	s1 =	rddreg [dreg:$0x4];
	[sflag:s5] =	ssyncadd.s32 $0xFFFFF600  }
0x198: {  	[tilespmem:s31], [sflag:$0x2] =	stream.linear.gather [hbm4b:s1+s3], $0xA00, $0x38;
	[tilespmem:$0xFE00] =	vst v63  }
0x199: {  	_ =	swait.ge [sflag:s5], $0xA00  }
0x19a: {  	[sflag:s5] =	ssyncset.done $0x0  }
0x19b: {  	s1 =	rddreg [dreg:$0x5];
	[sflag:s5] =	ssyncadd.s32 $0xFFFFF600  }
0x19c: {  	[spmem:s7], [sflag:s6] =	dma.local [hbm:s1], $0xB40  }
0x19d: {  	_ =	swait.ge [sflag:s5], $0xB40  }
0x19e: {  	[sflag:s5] =	ssyncset.done $0x0  }
0x19f: {  	[sflag:s5] =	ssyncadd.s32 $0xFFFFF4C0  }
0x1a0: {  	[bflag:$0x0] =	sbarrier.arrive $0xFFFF  }
0x1a1: {  	[tilespmem:s11], [sflag:$0x1] =	stream.indirect.gather [hbm4b:s4+s8], $0x90, s3, s8, $0xb8;
	[tilespmem:$0xFE00] =	vst v63  }
0x1a2: {  	_ = 	snop  }
0x1a3: {  	[tilespmem:s10], [sflag:$0x1] =	stream.indirect.gather [hbm4b:s4+s8], $0x90, s8, s8, $0xb8;
	[tilespmem:$0xFE00] =	vst v63  }
0x1a4: {  	_ =	swait.ge [sflag:s9], $0x4800  }
0x1a5: {  	[sflag:s9] =	ssyncset.done $0x0  }
0x1a6: {  	[sflag:s9] =	ssyncadd.s32 $0xFFFFB800  }
0x1a7: {  	[spmem:s2] =	stream.indirect.scatter.add.f32 [tilespmem:s11], [sflag:$0x2], $0x90, s31, s8, $0xb8;
	[tilespmem:$0xFE00] =	vst v63  }
0x1a8: {  	_ =	swait.ge [sflag:s5], $0x4800  }
0x1a9: {  	[sflag:s5] =	ssyncset.done $0x0  }
0x1aa: {  	s1 =	rddreg [dreg:$0x7];
	[sflag:s5] =	ssyncadd.s32 $0xFFFFB800  }
0x1ab: {  	[tilespmem:s11], [sflag:$0x1] =	stream.indirect.gather [hbm4b:s4+s8], $0x90, s1, s8, $0xb8;
	[tilespmem:$0xFE00] =	vst v63  }
0x1ac: {  	_ =	swait.ge [sflag:s9], $0x4800  }
0x1ad: {  	[sflag:s9] =	ssyncset.done $0x0  }
0x1ae: {  	s31 =	rddreg [dreg:$0x8];
	[sflag:s9] =	ssyncadd.s32 $0xFFFFB800  }
0x1af: {  	[spmem:s2] =	stream.indirect.scatter.add.f32 [tilespmem:s10], [sflag:$0x2], $0x90, s31, s8, $0xb8;
	[tilespmem:$0xFE00] =	vst v63  }
0x1b0: {  	_ =	swait.ge [sflag:s5], $0x4800  }
0x1b1: {  	[sflag:s5] =	ssyncset.done $0x0  }
0x1b2: {  	s1 =	rddreg [dreg:$0x9];
	[sflag:s5] =	ssyncadd.s32 $0xFFFFB800  }
0x1b3: {  	[tilespmem:s10], [sflag:$0x1] =	stream.indirect.gather [hbm4b:s4+s8], $0x90, s1, s8, $0xb8;
	[tilespmem:$0xFE00] =	vst v63  }
0x1b4: {  	_ =	swait.ge [sflag:s9], $0x4800  }
0x1b5: {  	[sflag:s9] =	ssyncset.done $0x0  }
0x1b6: {  	s31 =	rddreg [dreg:$0xa];
	[sflag:s9] =	ssyncadd.s32 $0xFFFFB800  }
0x1b7: {  	[spmem:s2] =	stream.indirect.scatter.add.f32 [tilespmem:s11], [sflag:$0x2], $0x90, s31, s8, $0xb8;
	[tilespmem:$0xFE00] =	vst v63  }
0x1b8: {  	_ =	swait.ge [sflag:s5], $0x4800  }
0x1b9: {  	[sflag:s5] =	ssyncset.done $0x0  }
0x1ba: {  	s1 =	rddreg [dreg:$0xb];
	[sflag:s5] =	ssyncadd.s32 $0xFFFFB800  }
0x1bb: {  	[tilespmem:s11], [sflag:$0x1] =	stream.indirect.gather [hbm4b:s4+s8], $0x90, s1, s8, $0xb8;
	[tilespmem:$0xFE00] =	vst v63  }
0x1bc: {  	_ =	swait.ge [sflag:s9], $0x4800  }
0x1bd: {  	[sflag:s9] =	ssyncset.done $0x0  }
0x1be: {  	s31 =	rddreg [dreg:$0xc];
	[sflag:s9] =	ssyncadd.s32 $0xFFFFB800  }
0x1bf: {  	[spmem:s2] =	stream.indirect.scatter.add.f32 [tilespmem:s10], [sflag:$0x2], $0x90, s31, s8, $0xb8;
	[tilespmem:$0xFE00] =	vst v63  }
0x1c0: {  	_ =	swait.ge [sflag:s5], $0x4800  }
0x1c1: {  	[sflag:s5] =	ssyncset.done $0x0  }
0x1c2: {  	s1 =	rddreg [dreg:$0xd];
	[sflag:s5] =	ssyncadd.s32 $0xFFFFB800  }
0x1c3: {  	[tilespmem:s10], [sflag:$0x1] =	stream.indirect.gather [hbm4b:s4+s8], $0x90, s1, s8, $0xb8;
	[tilespmem:$0xFE00] =	vst v63  }
0x1c4: {  	_ =	swait.ge [sflag:s9], $0x4800  }
0x1c5: {  	[sflag:s9] =	ssyncset.done $0x0  }
0x1c6: {  	s31 =	rddreg [dreg:$0xe];
	[sflag:s9] =	ssyncadd.s32 $0xFFFFB800  }
0x1c7: {  	[spmem:s2] =	stream.indirect.scatter.add.f32 [tilespmem:s11], [sflag:$0x2], $0x90, s31, s8, $0xb8;
	[tilespmem:$0xFE00] =	vst v63  }
0x1c8: {  	_ =	swait.ge [sflag:s5], $0x4800  }
0x1c9: {  	[sflag:s5] =	ssyncset.done $0x0  }
0x1ca: {  	s1 =	rddreg [dreg:$0xf];
	[sflag:s5] =	ssyncadd.s32 $0xFFFFB800  }
0x1cb: {  	[tilespmem:s11], [sflag:$0x1] =	stream.indirect.gather [hbm4b:s4+s8], $0x90, s1, s8, $0xb8;
	[tilespmem:$0xFE00] =	vst v63  }
0x1cc: {  	_ =	swait.ge [sflag:s9], $0x4800  }
0x1cd: {  	[sflag:s9] =	ssyncset.done $0x0  }
0x1ce: {  	s31 =	rddreg [dreg:$0x10];
	[sflag:s9] =	ssyncadd.s32 $0xFFFFB800  }
0x1cf: {  	[spmem:s2] =	stream.indirect.scatter.add.f32 [tilespmem:s10], [sflag:$0x2], $0x90, s31, s8, $0xb8;
	[tilespmem:$0xFE00] =	vst v63  }
0x1d0: {  	_ =	swait.ge [sflag:s5], $0x4800  }
0x1d1: {  	[sflag:s5] =	ssyncset.done $0x0  }
0x1d2: {  	s1 =	rddreg [dreg:$0x11];
	[sflag:s5] =	ssyncadd.s32 $0xFFFFB800  }
0x1d3: {  	[tilespmem:s10], [sflag:$0x1] =	stream.indirect.gather [hbm4b:s4+s8], $0x90, s1, s8, $0xb8;
	[tilespmem:$0xFE00] =	vst v63  }
0x1d4: {  	_ =	swait.ge [sflag:s9], $0x4800  }
0x1d5: {  	[sflag:s9] =	ssyncset.done $0x0  }
0x1d6: {  	s31 =	rddreg [dreg:$0x12];
	[sflag:s9] =	ssyncadd.s32 $0xFFFFB800  }
0x1d7: {  	[spmem:s2] =	stream.indirect.scatter.add.f32 [tilespmem:s11], [sflag:$0x2], $0x90, s31, s8, $0xb8;
	[tilespmem:$0xFE00] =	vst v63  }
0x1d8: {  	_ =	swait.ge [sflag:s5], $0x4800  }
0x1d9: {  	[sflag:s5] =	ssyncset.done $0x0  }
0x1da: {  	s1 =	rddreg [dreg:$0x13];
	[sflag:s5] =	ssyncadd.s32 $0xFFFFB800  }
0x1db: {  	[tilespmem:s11], [sflag:$0x1] =	stream.indirect.gather [hbm4b:s4+s8], $0x90, s1, s8, $0xb8;
	[tilespmem:$0xFE00] =	vst v63  }
0x1dc: {  	_ =	swait.ge [sflag:s9], $0x4800  }
0x1dd: {  	[sflag:s9] =	ssyncset.done $0x0  }
0x1de: {  	s31 =	rddreg [dreg:$0x14];
	[sflag:s9] =	ssyncadd.s32 $0xFFFFB800  }
0x1df: {  	[spmem:s2] =	stream.indirect.scatter.add.f32 [tilespmem:s10], [sflag:$0x2], $0x90, s31, s8, $0xb8;
	[tilespmem:$0xFE00] =	vst v63  }
0x1e0: {  	_ =	swait.ge [sflag:s5], $0x4800  }
0x1e1: {  	[sflag:s5] =	ssyncset.done $0x0  }
0x1e2: {  	s1 =	rddreg [dreg:$0x15];
	[sflag:s5] =	ssyncadd.s32 $0xFFFFB800  }
0x1e3: {  	[tilespmem:s10], [sflag:$0x1] =	stream.indirect.gather [hbm4b:s4+s8], $0x90, s1, s8, $0xb8;
	[tilespmem:$0xFE00] =	vst v63  }
0x1e4: {  	_ =	swait.ge [sflag:s9], $0x4800  }
0x1e5: {  	[sflag:s9] =	ssyncset.done $0x0  }
0x1e6: {  	s31 =	rddreg [dreg:$0x16];
	[sflag:s9] =	ssyncadd.s32 $0xFFFFB800  }
0x1e7: {  	[spmem:s2] =	stream.indirect.scatter.add.f32 [tilespmem:s11], [sflag:$0x2], $0x90, s31, s8, $0xb8;
	[tilespmem:$0xFE00] =	vst v63  }
0x1e8: {  	_ =	swait.ge [sflag:s5], $0x4800  }
0x1e9: {  	[sflag:s5] =	ssyncset.done $0x0  }
0x1ea: {  	s1 =	rddreg [dreg:$0x17];
	[sflag:s5] =	ssyncadd.s32 $0xFFFFB800  }
0x1eb: {  	[tilespmem:s11], [sflag:$0x1] =	stream.indirect.gather [hbm4b:s4+s8], $0x90, s1, s8, $0xb8;
	[tilespmem:$0xFE00] =	vst v63  }
0x1ec: {  	_ =	swait.ge [sflag:s9], $0x4800  }
0x1ed: {  	[sflag:s9] =	ssyncset.done $0x0  }
0x1ee: {  	s31 =	rddreg [dreg:$0x18];
	[sflag:s9] =	ssyncadd.s32 $0xFFFFB800  }
0x1ef: {  	[spmem:s2] =	stream.indirect.scatter.add.f32 [tilespmem:s10], [sflag:$0x2], $0x90, s31, s8, $0xb8;
	[tilespmem:$0xFE00] =	vst v63  }
0x1f0: {  	_ =	swait.ge [sflag:s5], $0x4800  }
0x1f1: {  	[sflag:s5] =	ssyncset.done $0x0  }
0x1f2: {  	s1 =	rddreg [dreg:$0x19];
	[sflag:s5] =	ssyncadd.s32 $0xFFFFB800  }
0x1f3: {  	[tilespmem:s10], [sflag:$0x1] =	stream.indirect.gather [hbm4b:s4+s8], $0x90, s1, s8, $0xb8;
	[tilespmem:$0xFE00] =	vst v63  }
0x1f4: {  	_ =	swait.ge [sflag:s9], $0x4800  }
0x1f5: {  	[sflag:s9] =	ssyncset.done $0x0  }
0x1f6: {  	[sflag:s9] =	ssyncadd.s32 $0xFFFFB800  }
0x1f7: {  	[spmem:s2] =	stream.indirect.scatter.add.f32 [tilespmem:s11], [sflag:$0x2], $0x90, s30, s8, $0xb8;
	[tilespmem:$0xFE00] =	vst v63  }
0x1f8: {  	_ =	swait.ge [sflag:s5], $0x4800  }
0x1f9: {  	[sflag:s5] =	ssyncset.done $0x0  }
0x1fa: {  	[sflag:s5] =	ssyncadd.s32 $0xFFFFB800  }
0x1fb: {  	[tilespmem:s11], [sflag:$0x1] =	stream.indirect.gather [hbm4b:s4+s8], $0x90, s29, s8, $0xb8;
	[tilespmem:$0xFE00] =	vst v63  }
0x1fc: {  	_ =	swait.ge [sflag:s9], $0x4800  }
0x1fd: {  	[sflag:s9] =	ssyncset.done $0x0  }
0x1fe: {  	[sflag:s9] =	ssyncadd.s32 $0xFFFFB800  }
0x1ff: {  	[spmem:s2] =	stream.indirect.scatter.add.f32 [tilespmem:s10], [sflag:$0x2], $0x90, s28, s8, $0xb8;
	[tilespmem:$0xFE00] =	vst v63  }
0x200: {  	_ =	swait.ge [sflag:s5], $0x4800  }
0x201: {  	[sflag:s5] =	ssyncset.done $0x0  }
0x202: {  	[sflag:s5] =	ssyncadd.s32 $0xFFFFB800  }
0x203: {  	[tilespmem:s10], [sflag:$0x1] =	stream.indirect.gather [hbm4b:s4+s8], $0x90, s26, s8, $0xb8;
	[tilespmem:$0xFE00] =	vst v63  }
0x204: {  	_ =	swait.ge [sflag:s9], $0x4800  }
0x205: {  	[sflag:s9] =	ssyncset.done $0x0  }
0x206: {  	[sflag:s9] =	ssyncadd.s32 $0xFFFFB800  }
0x207: {  	[spmem:s2] =	stream.indirect.scatter.add.f32 [tilespmem:s11], [sflag:$0x2], $0x90, s25, s8, $0xb8;
	[tilespmem:$0xFE00] =	vst v63  }
0x208: {  	_ =	swait.ge [sflag:s5], $0x4800  }
0x209: {  	[sflag:s5] =	ssyncset.done $0x0  }
0x20a: {  	[sflag:s5] =	ssyncadd.s32 $0xFFFFB800  }
0x20b: {  	[tilespmem:s11], [sflag:$0x1] =	stream.indirect.gather [hbm4b:s4+s8], $0x90, s24, s8, $0xb8;
	[tilespmem:$0xFE00] =	vst v63  }
0x20c: {  	_ =	swait.ge [sflag:s9], $0x4800  }
0x20d: {  	[sflag:s9] =	ssyncset.done $0x0  }
0x20e: {  	[sflag:s9] =	ssyncadd.s32 $0xFFFFB800  }
0x20f: {  	[spmem:s2] =	stream.indirect.scatter.add.f32 [tilespmem:s10], [sflag:$0x2], $0x90, s23, s8, $0xb8;
	[tilespmem:$0xFE00] =	vst v63  }
0x210: {  	_ =	swait.ge [sflag:s5], $0x4800  }
0x211: {  	[sflag:s5] =	ssyncset.done $0x0  }
0x212: {  	[sflag:s5] =	ssyncadd.s32 $0xFFFFB800  }
0x213: {  	[tilespmem:s10], [sflag:$0x1] =	stream.indirect.gather [hbm4b:s4+s8], $0x90, s22, s8, $0xb8;
	[tilespmem:$0xFE00] =	vst v63  }
0x214: {  	_ =	swait.ge [sflag:s9], $0x4800  }
0x215: {  	[sflag:s9] =	ssyncset.done $0x0  }
0x216: {  	[sflag:s9] =	ssyncadd.s32 $0xFFFFB800  }
0x217: {  	[spmem:s2] =	stream.indirect.scatter.add.f32 [tilespmem:s11], [sflag:$0x2], $0x90, s21, s8, $0xb8;
	[tilespmem:$0xFE00] =	vst v63  }
0x218: {  	_ =	swait.ge [sflag:s5], $0x4800  }
0x219: {  	[sflag:s5] =	ssyncset.done $0x0  }
0x21a: {  	[sflag:s5] =	ssyncadd.s32 $0xFFFFB800  }
0x21b: {  	[tilespmem:s11], [sflag:$0x1] =	stream.indirect.gather [hbm4b:s4+s8], $0x90, s20, s8, $0xb8;
	[tilespmem:$0xFE00] =	vst v63  }
0x21c: {  	_ =	swait.ge [sflag:s9], $0x4800  }
0x21d: {  	[sflag:s9] =	ssyncset.done $0x0  }
0x21e: {  	[sflag:s9] =	ssyncadd.s32 $0xFFFFB800  }
0x21f: {  	[spmem:s2] =	stream.indirect.scatter.add.f32 [tilespmem:s10], [sflag:$0x2], $0x90, s19, s8, $0xb8;
	[tilespmem:$0xFE00] =	vst v63  }
0x220: {  	_ =	swait.ge [sflag:s5], $0x4800  }
0x221: {  	[sflag:s5] =	ssyncset.done $0x0  }
0x222: {  	[sflag:s5] =	ssyncadd.s32 $0xFFFFB800  }
0x223: {  	[tilespmem:s10], [sflag:$0x1] =	stream.indirect.gather [hbm4b:s4+s8], $0x90, s17, s8, $0xb8;
	[tilespmem:$0xFE00] =	vst v63  }
0x224: {  	_ =	swait.ge [sflag:s9], $0x4800  }
0x225: {  	[sflag:s9] =	ssyncset.done $0x0  }
0x226: {  	[sflag:s9] =	ssyncadd.s32 $0xFFFFB800  }
0x227: {  	[spmem:s2] =	stream.indirect.scatter.add.f32 [tilespmem:s11], [sflag:$0x2], $0x90, s18, s8, $0xb8;
	[tilespmem:$0xFE00] =	vst v63  }
0x228: {  	_ =	swait.ge [sflag:s5], $0x4800  }
0x229: {  	[sflag:s5] =	ssyncset.done $0x0  }
0x22a: {  	[sflag:s5] =	ssyncadd.s32 $0xFFFFB800  }
0x22b: {  	[tilespmem:s11], [sflag:$0x1] =	stream.indirect.gather [hbm4b:s4+s8], $0x90, s16, s8, $0xb8;
	[tilespmem:$0xFE00] =	vst v63  }
0x22c: {  	_ =	swait.ge [sflag:s9], $0x4800  }
0x22d: {  	[sflag:s9] =	ssyncset.done $0x0  }
0x22e: {  	[sflag:s9] =	ssyncadd.s32 $0xFFFFB800  }
0x22f: {  	[spmem:s2] =	stream.indirect.scatter.add.f32 [tilespmem:s10], [sflag:$0x2], $0x90, s15, s8, $0xb8;
	[tilespmem:$0xFE00] =	vst v63  }
0x230: {  	_ =	swait.ge [sflag:s5], $0x4800  }
0x231: {  	[sflag:s5] =	ssyncset.done $0x0  }
0x232: {  	[sflag:s5] =	ssyncadd.s32 $0xFFFFB800  }
0x233: {  	[tilespmem:s10], [sflag:$0x1] =	stream.indirect.gather [hbm4b:s4+s8], $0x90, s14, s8, $0xb8;
	[tilespmem:$0xFE00] =	vst v63  }
0x234: {  	_ =	swait.ge [sflag:s9], $0x4800  }
0x235: {  	[sflag:s9] =	ssyncset.done $0x0  }
0x236: {  	[sflag:s9] =	ssyncadd.s32 $0xFFFFB800  }
0x237: {  	[spmem:s2] =	stream.indirect.scatter.add.f32 [tilespmem:s11], [sflag:$0x2], $0x90, s13, s8, $0xb8;
	[tilespmem:$0xFE00] =	vst v63  }
0x238: {  	_ =	swait.ge [sflag:s5], $0x4800  }
0x239: {  	[sflag:s5] =	ssyncset.done $0x0  }
0x23a: {  	[sflag:s5] =	ssyncadd.s32 $0xFFFFB800  }
0x23b: {  	[tilespmem:s11], [sflag:$0x1] =	stream.indirect.gather [hbm4b:s4+s8], $0x90, s3, s8, $0xb8;
	[tilespmem:$0xFE00] =	vst v63  }
0x23c: {  	_ =	swait.ge [sflag:s9], $0x4800  }
0x23d: {  	[sflag:s9] =	ssyncset.done $0x0  }
0x23e: {  	[sflag:s9] =	ssyncadd.s32 $0xFFFFB800  }
0x23f: {  	[spmem:s2] =	stream.indirect.scatter.add.f32 [tilespmem:s10], [sflag:$0x2], $0x90, s12, s8, $0xb8;
	[tilespmem:$0xFE00] =	vst v63  }
0x240: {  	_ =	swait.ge [sflag:s5], $0x4800  }
0x241: {  	[sflag:s5] =	ssyncset.done $0x0  }
0x242: {  	[sflag:s5] =	ssyncadd.s32 $0xFFFFB800  }
0x243: {  	_ =	swait.ge [sflag:s9], $0x4800  }
0x244: {  	[sflag:s9] =	ssyncset.done $0x0  }
0x245: {  	[sflag:s9] =	ssyncadd.s32 $0xFFFFB800  }
0x246: {  	[bflag:$0x0] =	sbarrier.arrive $0xFFFF  }
0x247: {  	s30 =	rddreg [dreg:$0x6]  }
0x248: {  	[hbm:s30], [sflag:s6] =	dma.local [spmem:s7], $0xB40  }
0x249: {  	_ =	swait.ge [sflag:s5], $0xB40  }
0x24a: {  	[sflag:s5] =	ssyncset.done $0x0  }
0x24b: {  	[sflag:s5] =	ssyncadd.s32 $0xFFFFF4C0  }
0x24c: {  	_ =	sfence.sel $0x180000  }
0x24d: {  	[bflag:$0x0] =	sbarrier.arrive $0xFFFF  }
0x24e: {  	_ =	strace $0x9000004A  }
0x24f: {  	s31 =	stileid.u32;
	[bflag:$0x2] =	sbarrier.arrive $0xFFFF  }
0x250: {  	p0 =	sne.s32 s31, $0x0;
	s0 =	rddreg [dreg:$0x2]  }
0x251: {  	s0 =	sadd.s32 @!p0 $0x100000, s0  }
0x252: {  	[sflag:s0] =	ssyncadd.tile.s32 @!p0 $0x1;
	_ =	shalt  }
.Lfunc_end2:
_tile_overlayer_lowered:
.L_overlay_start_2:
0x253: {  	(tag) =	ssettag $0x2  }
0x254: {  	s0 =	rddreg [dreg:$0x0];
	s2 =	stileid.u32  }
0x255: {  	s1 =	rddreg [dreg:$0x1];
	p0 =	sne.s32 s2, $0x0  }
0x256: {  	s3 =	rddreg [dreg:$0x2];
	[bflag:$0x3] =	sbarrier.arrive $0xFFFF;
	s2 =	simm.s32 @!p0 $0x1C02  }
0x257: {  	[timem:s3], [sflag:s2] =	dma.local @!p0 [hbm:s0], s1  }
0x258: {  	s0 =	simm.s32 @!p0 $0x2  }
0x259: {  	_ =	swait.ge @!p0 [sflag:s0], s1  }
0x25a: {  	s1 =	ssub.s32 @!p0 $0x0, s1;
	[sflag:s0] =	ssyncset.done @!p0 $0x0  }
0x25b: {  	[sflag:s0] =	ssyncadd.s32 @!p0 s1  }
0x25c: {  	[bflag:$0x3] =	sbarrier.arrive $0xFFFF  }
0x25d: {  	_ =	shalt  }

// kernel: kernel.7.cloned.1.call-start
scs
__scs_entry_jumppad:
0x0: {  	(pc) =	sbr.rel $0x88, $3  }
0x1: {  	(tag) =	ssettag $0x0;
	lr =	simm.s32 $0x1  }
0x2: {  	[smem:$0x3F98] =	sst lr;
	_ =	strace $0xD0000000  }
0x3: {  	_ = 	snop  }
0x4: {  	_ = 	snop  }
0x5: {  	_ = 	snop  }
0x6: {  	_ = 	snop  }
0x7: {  	_ = 	snop  }
__scs_overlays_trampoline_lowered:
0x8: {  	[smem:$0x3FA7] =	sst s0  }
0x9: {  	[smem:$0x3FA8] =	sst s1  }
0xa: {  	[smem:$0x3FA9] =	sst s2  }
0xb: {  	[smem:$0x3FAA] =	sst s3  }
0xc: {  	[smem:$0x3FAB] =	sst s4  }
0xd: {  	[smem:$0x3FAC] =	sst s5  }
0xe: {  	[smem:$0x3FAD] =	sst s6  }
0xf: {  	[smem:$0x3FAE] =	sst s7  }
0x10: {  	[smem:$0x3FAF] =	sst s8  }
0x11: {  	[smem:$0x3FB0] =	sst s9;
	s0 =	simm.s32 @!p0 $0x0  }
0x12: {  	s1 =	sld [smem:$0x3F96];
	s0 =	simm.s32 @p0 $0x1  }
0x13: {  	[smem:$0x3FB1] =	sst s0;
	s0 =	simm.s32 @!p1 $0x0  }
0x14: {  	s2 =	sld [smem:$0x3F95];
	s0 =	simm.s32 @p1 $0x1  }
0x15: {  	[smem:$0x3FB2] =	sst s0;
	s0 =	simm.s32 @!p2 $0x0  }
0x16: {  	s3 =	sld [smem:$0x3FDB];
	s0 =	simm.s32 @p2 $0x1  }
0x17: {  	s4 =	simm.s32 $0x1BF5;
	[smem:$0x3FB4] =	sst s0  }
0x18: {  	s0 =	sld [smem:$0x3F97];
	_ =	swait.ge [sflag:s4], $0x0  }
0x19: {  	s7 =	sld [smem:$0x3F98]  }
0x1a: {  	s8 =	sadd.s32 $0xFFFFE003, lr  }
0x1b: {  	s9 =	sadd.s32 $0xFFFFFEF7, lr;
	s5 =	simm.s32 $0xFFFFFFFF;
	p2 =	slt.u32 s8, $0xFFFFF086  }
0x1c: {  	p1 =	slt.u32 s9, $0xF7A;
	s5 =	simm.s32 @!p2 $0x0  }
0x1d: {  	s5 =	simm.s32 @p1 $0x1;
	p0 =	seq.s32 s7, s2  }
0x1e: {  	s7 =	smul.u32 @!p0 $0xF7A, s2;
	p2 =	seq.s32 @!p0 s5, $0x0  }
0x1f: {  	s9 =	smul.u32 $0xF7A, s1;
	s8 =	simm.s32 @!p0 $0x1BF5;
	p2 =	por !p2, p0  }
0x20: {  	[sflag:s8] =	ssyncset.s32 @!p0 $0xFFFFF086;
	s6 =	sadd.s32 @!p0 s3, s7;
	s7 =	simm.s32 @!p0 $0x108  }
0x21: {  	s3 =	sadd.s32 s3, s9;
	s6 =	sadd.s32 @!p0 $0x88, s6;
	s7 =	simm.s32 @p2 $0x1082  }
0x22: {  	[simem:s7], [sflag:s8] =	dma.local @!p0 [hbm:s6], $0xF7A  }
0x23: {  	s9 =	sor.u32 $0xD0000000, s2;
	s6 =	simm.s32 $0x108;
	_ =	swait.ge @!p0 [sflag:s8], $0x0  }
0x24: {  	s3 =	sadd.s32 $0x88, s3;
	s6 =	simm.s32 @!p1 $0x1082;
	[sflag:s4] =	ssyncset.s32 $0xFFFFF086  }
0x25: {  	[simem:s6], [sflag:s4] =	dma.local [hbm:s3], $0xF7A  }
0x26: {  	[smem:$0x3F98] =	sst s1;
	(tag) =	ssettag s2;
	_ =	strace s9  }
0x27: {  	s1 =	sld [smem:$0x3FA8]  }
0x28: {  	s2 =	sld [smem:$0x3FA9]  }
0x29: {  	s4 =	sld [smem:$0x3FAB]  }
0x2a: {  	p0 =	seq.s32 s5, $0x0;
	s5 =	sld [smem:$0x3FAC]  }
0x2b: {  	s6 =	sld [smem:$0x3FAD]  }
0x2c: {  	s7 =	sld [smem:$0x3FAE]  }
0x2d: {  	s3 =	simm.s32 $0x108;
	s8 =	sld [smem:$0x3FAF]  }
0x2e: {  	s3 =	simm.s32 @!p0 $0x1082;
	s9 =	sld [smem:$0x3FB0]  }
0x2f: {  	lr =	sadd.s32 s0, s3;
	s0 =	sld [smem:$0x3FA7]  }
0x30: {  	s3 =	sld [smem:$0x3FAA]  }
0x31: {  	[smem:$0x3FB3] =	sst s10  }
0x32: {  	s10 =	sld [smem:$0x3FB1];
	_ =	sdelay $0x3  }
0x33: {  	p0 =	seq.s32 s10, $0x1;
	s10 =	sld [smem:$0x3FB3];
	_ =	sdelay $0x3  }
0x34: {  	[smem:$0x3FB3] =	sst s10  }
0x35: {  	s10 =	sld [smem:$0x3FB2];
	_ =	sdelay $0x3  }
0x36: {  	p1 =	seq.s32 s10, $0x1;
	s10 =	sld [smem:$0x3FB3];
	_ =	sdelay $0x3  }
0x37: {  	[smem:$0x3FB3] =	sst s10  }
0x38: {  	s10 =	sld [smem:$0x3FB4]  }
0x39: {  	_ = 	snop;
	(pc) =	sbr.ind lr, $3  }
0x3a: {  	_ = 	snop  }
0x3b: {  	_ = 	snop  }
0x3c: {  	p2 =	seq.s32 s10, $0x1;
	s10 =	sld [smem:$0x3FB3]  }
0x3d: {  	_ =	shalt  }
0x3e: {  	_ =	shalt  }
0x3f: {  	_ =	shalt  }
0x40: {  	_ =	shalt  }
0x41: {  	_ =	shalt  }
0x42: {  	_ =	shalt  }
0x43: {  	_ =	shalt  }
0x44: {  	_ =	shalt  }
0x45: {  	_ =	shalt  }
0x46: {  	_ =	shalt  }
0x47: {  	_ =	shalt  }
0x48: {  	_ =	shalt  }
0x49: {  	_ =	shalt  }
0x4a: {  	_ =	shalt  }
0x4b: {  	_ =	shalt  }
0x4c: {  	_ =	shalt  }
0x4d: {  	_ =	shalt  }
0x4e: {  	_ =	shalt  }
0x4f: {  	_ =	shalt  }
0x50: {  	_ =	shalt  }
0x51: {  	_ =	shalt  }
0x52: {  	_ =	shalt  }
0x53: {  	_ =	shalt  }
0x54: {  	_ =	shalt  }
0x55: {  	_ =	shalt  }
0x56: {  	_ =	shalt  }
0x57: {  	_ =	shalt  }
0x58: {  	_ =	shalt  }
0x59: {  	_ =	shalt  }
0x5a: {  	_ =	shalt  }
0x5b: {  	_ =	shalt  }
0x5c: {  	_ =	shalt  }
0x5d: {  	_ =	shalt  }
0x5e: {  	_ =	shalt  }
0x5f: {  	_ =	shalt  }
0x60: {  	_ =	shalt  }
0x61: {  	_ =	shalt  }
0x62: {  	_ =	shalt  }
0x63: {  	_ =	shalt  }
0x64: {  	_ =	shalt  }
0x65: {  	_ =	shalt  }
0x66: {  	_ =	shalt  }
0x67: {  	_ =	shalt  }
0x68: {  	_ =	shalt  }
0x69: {  	_ =	shalt  }
0x6a: {  	_ =	shalt  }
0x6b: {  	_ =	shalt  }
0x6c: {  	_ =	shalt  }
0x6d: {  	_ =	shalt  }
0x6e: {  	_ =	shalt  }
0x6f: {  	_ =	shalt  }
0x70: {  	_ =	shalt  }
0x71: {  	_ =	shalt  }
0x72: {  	_ =	shalt  }
0x73: {  	_ =	shalt  }
0x74: {  	_ =	shalt  }
0x75: {  	_ =	shalt  }
0x76: {  	_ =	shalt  }
0x77: {  	_ =	shalt  }
0x78: {  	_ =	shalt  }
0x79: {  	_ =	shalt  }
0x7a: {  	_ =	shalt  }
0x7b: {  	_ =	shalt  }
0x7c: {  	_ =	shalt  }
0x7d: {  	_ =	shalt  }
0x7e: {  	_ =	shalt  }
0x7f: {  	_ =	shalt  }
0x80: {  	_ =	shalt  }
0x81: {  	_ =	shalt  }
0x82: {  	_ =	shalt  }
0x83: {  	_ =	shalt  }
0x84: {  	_ =	shalt  }
0x85: {  	_ =	shalt  }
0x86: {  	_ =	shalt  }
0x87: {  	_ =	shalt  }
.Lfunc_end0:
.L_simem_size_0:
called_computation_lowered:
.L_overlay_start_0:
0x88: {  	s2 =	sld [smem:$0x3FD9]  }
0x89: {  	s3 =	sld [smem:$0x3FFE];
	_ =	sdelay $0x1  }
0x8a: {  	s1 =	srdreg.scid  }
0x8b: {  	s0 =	sand.u32 $0x1, s1  }
0x8c: {  	s17 =	sshll.u32 s0, $0xA;
	s2 =	sadd.s32 s3, s2  }
0x8d: {  	s2 =	sadd.s32 s2, s17  }
0x8e: {  	[smem:$0x3FBF] =	sst s2  }
0x8f: {  	_ = 	snop  }
0x90: {  	s2 =	sld [smem:$0x3FD0];
	(tm) =	ssettm $0x1  }
0x91: {  	s18 =	sld [smem:$0x3FFB];
	_ =	sdelay $0x3  }
0x92: {  	_ =	strace s18  }
0x93: {  	s3 =	sld [smem:$0x3FFC];
	_ =	sdelay $0x3  }
0x94: {  	_ =	strace s3  }
0x95: {  	s3 =	sld [smem:$0x3FFD];
	_ =	sdelay $0x3  }
0x96: {  	_ =	strace s3  }
0x97: {  	_ =	strace $0x8FFFFFFF  }
0x98: {  	s19 =	sld [smem:$0x3FDB];
	_ =	sdelay $0x1  }
0x99: {  	s4 =	simm.s32 $_scs_section_size  }
0x9a: {  	s5 =	simm.s32 $_size__tile_overlayer_lowered;
	s6 =	simm.s32 $_tile_overlayer_lowered  }
0x9b: {  	s22 =	simm.s32 $0x1BFF;
	s21 =	sshll.u32 s6, $0x1;
	s3 =	sadd.s32 s4, s19  }
0x9c: {  	s7 =	simm.s32 $0x0;
	s20 =	sshll.u32 s5, $0x1;
	s5 =	sadd.s32 s21, s3  }
0x9d: {  	[timem:s7], [sflag:s22] =	dma.local [hbm:s5], s20  }
0x9e: {  	_ =	swait.ge [sflag:s22], s20  }
0x9f: {  	s4 =	ssub.s32 $0x0, s20;
	[sflag:s22] =	ssyncset.done $0x0  }
0xa0: {  	[sflag:s22] =	ssyncadd.s32 s4;
	_ =	sdelay $0x1  }
0xa1: {  	s23 =	simm.s32 $0x1B8B  }
0xa2: {  	_ =	swait.ge [sflag:s23], $0x1  }
0xa3: {  	[sflag:s23] =	ssyncset.done $0x0  }
0xa4: {  	s25 =	simm.s32 $0x1B8E;
	s24 =	sld [smem:$0x3FFE];
	[sflag:s23] =	ssyncadd.s32 $0xFFFFFFFF  }
0xa5: {  	s26 =	simm.s32 $execute0_lowered;
	[smem:$0x3FD2] =	sst s25  }
0xa6: {  	s5 =	sshll.u32 s26, $0x1;
	_ =	strace $0x80000046;
	[dreg:$0x1] =	wrdreg $0xFFFFFFFF  }
0xa7: {  	s28 =	simm.s32 $_size_execute0_lowered;
	s3 =	sadd.s32 s3, s5;
	[dreg:$0x0] =	wrdreg $0x0  }
0xa8: {  	s5 =	sshll.u32 s28, $0x1;
	[dreg:$0x2] =	wrdreg s3  }
0xa9: {  	[dreg:$0x3] =	wrdreg s5  }
0xaa: {  	[dreg:$0x4] =	wrdreg $0xC0  }
0xab: {  	_ =	task [dreg:s7], $0x5FFFF  }
0xac: {  	[dreg:$0x1] =	wrdreg $0xFFFFFFFF  }
0xad: {  	[dreg:$0x0] =	wrdreg $0x60  }
0xae: {  	[dreg:$0x2] =	wrdreg s24  }
0xaf: {  	[dreg:$0x3] =	wrdreg s2  }
0xb0: {  	[dreg:$0x4] =	wrdreg $0xB0000  }
0xb1: {  	[dreg:$0x5] =	wrdreg $0x9  }
0xb2: {  	_ =	task.clear_ibuf [dreg:s7], $0x6FFFF;
	_ =	strace $0x90000046  }
0xb3: {  	s29 =	simm.s32 $0x9;
	_ =	strace $0x80000048  }
0xb4: {  	_ =	swait.ge [sflag:s29], $0x1  }
0xb5: {  	[sflag:s29] =	ssyncadd.s32 $0xFFFFFFFF  }
0xb6: {  	_ =	strace $0x90000048  }
0xb7: {  	_ =	sfence  }
0xb8: {  	s30 =	sld [smem:$0x0];
	_ =	sdelay $0x2  }
0xb9: {  	s31 =	sshll.u32 s1, $0xD;
	s1 =	sshrl.u32 s1, $0x2  }
0xba: {  	s3 =	sand.u32 $0x4000, s31;
	s1 =	sadd.s32 s1, s30  }
0xbb: {  	s0 =	sor.u32 s3, s0;
	s1 =	sshll.u32 s1, $0x11  }
0xbc: {  	s0 =	sor.u32 s1, s0  }
0xbd: {  	s0 =	sadd.s32 $0x8F2B, s0  }
0xbe: {  	[sflag:s0] =	ssyncadd.remote.s32 $0x1  }
0xbf: {  	_ =	sfence.sel $0xFFFF  }
0xc0: {  	[dreg:$0x0] =	wrdreg $0xFFFFFFFF;
	(pc) =	sbr.abs _section_cstart, $3  }
0xc1: {  	[dreg:$0x1] =	wrdreg $0xFFFFFFFF  }
0xc2: {  	_ =	task.clear_ibuf [dreg:s7], $0x2FFFF;
	_ =	strace $0x9FFFFFFF  }
0xc3: {  	(tm) =	ssettm $0x7FFFFFFF  }
tec
execute0_lowered:
.L_overlay_start_1:
0x0: {  	(tag) =	ssettag $0x1  }
0x1: {  	s6 =	rddreg [dreg:$0x0]  }
0x2: {  	s7 =	rddreg [dreg:$0x1]  }
0x3: {  	s0 =	srdreg.scid;
	s2 =	rddreg [dreg:$0x2];
	s3 =	simm.s32 $0x0  }
0x4: {  	s15 =	simm.s32 $0x2800;
	s16 =	simm.s32 $0x6C00;
	s17 =	simm.s32 $0x1  }
0x5: {  	s18 =	simm.s32 $0x13C0;
	s19 =	simm.s32 $0x2780;
	s20 =	simm.s32 $0x27C0  }
0x6: {  	s21 =	simm.s32 $0x0;
	s5 =	sand.u32 $0x1, s0;
	s0 =	stileid.u32  }
0x7: {  	[smem:$0x7FF] =	sst s3;
	s4 =	sadd.s32 $0xA00, s6;
	s9 =	smul.u32 $0x14DA0, s0  }
0x8: {  	s1 =	sshll.u32 s5, $0x4;
	s10 =	smul.u32 $0x14DA00, s5;
	s5 =	ssub.s32 $0x2, s5  }
0x9: {  	s31 =	sshll.u32 s0, $0x6;
	s1 =	sor.u32 s0, s1;
	s13 =	sshrl.u32 s5, $0x1  }
0xa: {  	s8 =	smul.u32 $0x280, s1;
	s1 =	rddreg [dreg:$0x3];
	_ =	strace $0x80000047  }
0xb: {  	s12 =	sshrl.u32 s9, $0x3;
	s10 =	sadd.s32 s9, s10;
	s13 =	ssub.s32 s5, s13  }
0xc: {  	s14 =	sadd.s32 s9, s2;
	s12 =	sadd.s32 s12, s6;
	s10 =	sshrl.u32 s10, $0x3  }
0xd: {  	s9 =	smax.u32 s13, $0x1;
	s13 =	sshrl.u32 s14, $0x3;
	s14 =	simm.s32 $0x40  }
0xe: {  	s11 =	sadd.s32 s8, s6;
	s10 =	sadd.s32 s10, s6;
	s5 =	sadd.s32 s7, s8  }
0xf: {  	s7 =	sadd.s32 $0x2F600, s12;
	s12 =	sor.u32 $0x1C02, s31;
	s6 =	sadd.s32 $0x2A600, s11  }
0x10: {  	s8 =	sadd.s32 $0x59200, s10;
	s10 =	simm.s32 $0x2;
	s11 =	simm.s32 $0x1400  }
.LBB2_1:
0x11: {  	[tilespmem:s3], [sflag:$0x2] =	stream.linear.gather [hbm4b:s5+s3], $0x1400, $0x38;
	[tilespmem:$0x1FDA0] =	vst v63  }
0x12: {  	_ =	swait.ge [sflag:s10], $0x1400  }
0x13: {  	[sflag:s10] =	ssyncset.done $0x0  }
0x14: {  	[sflag:s10] =	ssyncadd.s32 $0xFFFFEC00  }
0x15: {  	[tilespmem:s11], [sflag:$0x2] =	stream.linear.gather [hbm4b:s6+s3], $0x1400, $0x38;
	[tilespmem:$0x1FDA0] =	vst v63  }
0x16: {  	_ =	swait.ge [sflag:s10], $0x1400  }
0x17: {  	[sflag:s10] =	ssyncset.done $0x0  }
0x18: {  	[sflag:s10] =	ssyncadd.s32 $0xFFFFEC00  }
0x19: {  	[spmem:s13], [sflag:s12] =	dma.local [hbm:s7], $0x29B4  }
0x1a: {  	_ =	swait.ge [sflag:s10], $0x29B4  }
0x1b: {  	[sflag:s10] =	ssyncset.done $0x0  }
0x1c: {  	[sflag:s10] =	ssyncadd.s32 $0xFFFFD64C  }
0x1d: {  	[bflag:$0x0] =	sbarrier.arrive $0xFFFF  }
0x1e: {  	[tilespmem:s15], [sflag:$0x1] =	stream.indirect.gather [hbm4b:s4+s14], $0x110, s3, s14, $0xb8;
	[tilespmem:$0x1FDA0] =	vst v63  }
0x1f: {  	s22 =	simm.s32 $0x40  }
0x20: {  	[tilespmem:s16], [sflag:$0x1] =	stream.indirect.gather [hbm4b:s4+s14], $0x110, s22, s14, $0xb8;
	[tilespmem:$0x1FDA0] =	vst v63  }
0x21: {  	_ =	swait.ge [sflag:s17], $0x4400  }
0x22: {  	[sflag:s17] =	ssyncset.done $0x0  }
0x23: {  	s29 =	simm.s32 $0x1400;
	[sflag:s17] =	ssyncadd.s32 $0xFFFFBC00  }
0x24: {  	[spmem:s2] =	stream.indirect.scatter.add.f32 [tilespmem:s15], [sflag:$0x2], $0x110, s29, s14, $0xb8;
	[tilespmem:$0x1FDA0] =	vst v63  }
0x25: {  	_ =	swait.ge [sflag:s10], $0x4400  }
0x26: {  	[sflag:s10] =	ssyncset.done $0x0  }
0x27: {  	s30 =	simm.s32 $0x80;
	[sflag:s10] =	ssyncadd.s32 $0xFFFFBC00  }
0x28: {  	[tilespmem:s15], [sflag:$0x1] =	stream.indirect.gather [hbm4b:s4+s14], $0x110, s30, s14, $0xb8;
	[tilespmem:$0x1FDA0] =	vst v63  }
0x29: {  	_ =	swait.ge [sflag:s17], $0x4400  }
0x2a: {  	[sflag:s17] =	ssyncset.done $0x0  }
0x2b: {  	s31 =	simm.s32 $0x1440;
	[sflag:s17] =	ssyncadd.s32 $0xFFFFBC00  }
0x2c: {  	[spmem:s2] =	stream.indirect.scatter.add.f32 [tilespmem:s16], [sflag:$0x2], $0x110, s31, s14, $0xb8;
	[tilespmem:$0x1FDA0] =	vst v63  }
0x2d: {  	_ =	swait.ge [sflag:s10], $0x4400  }
0x2e: {  	s23 =	simm.s32 $0x400;
	s22 =	simm.s32 $0x80;
	[sflag:s10] =	ssyncset.done $0x0  }
.LBB2_2:
0x2f: {  	s24 =	sadd.s32 $0x40, s22  }
0x30: {  	[sflag:s10] =	ssyncadd.s32 $0xFFFFBC00;
	s25 =	smov.u32 s23;
	s26 =	sadd.s32 $0x200, s23  }
0x31: {  	[tilespmem:s16], [sflag:$0x1] =	stream.indirect.gather [hbm4b:s4+s14], $0x110, s24, s14, $0xb8;
	[tilespmem:$0x1FDA0] =	vst v63  }
0x32: {  	p0 =	sne.s32 s23, $0x4C00;
	_ =	swait.ge [sflag:s17], $0x4400  }
0x33: {  	[sflag:s17] =	ssyncset.done $0x0  }
0x34: {  	s23 =	sadd.s32 $0x1400, s22;
	[sflag:s17] =	ssyncadd.s32 $0xFFFFBC00  }
0x35: {  	[spmem:s2] =	stream.indirect.scatter.add.f32 [tilespmem:s15], [sflag:$0x2], $0x110, s23, s14, $0xb8;
	[tilespmem:$0x1FDA0] =	vst v63  }
0x36: {  	_ =	swait.ge [sflag:s10], $0x4400  }
0x37: {  	[sflag:s10] =	ssyncset.done $0x0  }
0x38: {  	s23 =	sadd.s32 $0x80, s22;
	[sflag:s10] =	ssyncadd.s32 $0xFFFFBC00  }
0x39: {  	[tilespmem:s15], [sflag:$0x1] =	stream.indirect.gather [hbm4b:s4+s14], $0x110, s23, s14, $0xb8;
	[tilespmem:$0x1FDA0] =	vst v63  }
0x3a: {  	_ =	swait.ge [sflag:s17], $0x4400  }
.Ltmp0:
0x3b: {  	[sflag:s17] =	ssyncset.done $0x0;
	(pc) =	sbr.rel @p0 .LBB2_2-.Ltmp0, $4  }
0x3c: {  	s22 =	sadd.s32 $0x1440, s22;
	[sflag:s17] =	ssyncadd.s32 $0xFFFFBC00  }
0x3d: {  	[spmem:s2] =	stream.indirect.scatter.add.f32 [tilespmem:s16], [sflag:$0x2], $0x110, s22, s14, $0xb8;
	[tilespmem:$0x1FDA0] =	vst v63  }
0x3e: {  	_ =	swait.ge [sflag:s10], $0x4400  }
0x3f: {  	s23 =	smov.u32 s26;
	s22 =	sshra.s32 s25, $0x2;
	[sflag:s10] =	ssyncset.done $0x0  }
0x40: {  	s23 =	sadd.s32 $0x40, s22;
	[sflag:s10] =	ssyncadd.s32 $0xFFFFBC00  }
0x41: {  	[tilespmem:s16], [sflag:$0x1] =	stream.indirect.gather [hbm4b:s4+s14], $0x110, s23, s14, $0xb8;
	[tilespmem:$0x1FDA0] =	vst v63  }
0x42: {  	_ =	swait.ge [sflag:s17], $0x4400  }
0x43: {  	[sflag:s17] =	ssyncset.done $0x0  }
0x44: {  	s29 =	sadd.s32 $0x1400, s22;
	[sflag:s17] =	ssyncadd.s32 $0xFFFFBC00  }
0x45: {  	[spmem:s2] =	stream.indirect.scatter.add.f32 [tilespmem:s15], [sflag:$0x2], $0x110, s29, s14, $0xb8;
	[tilespmem:$0x1FDA0] =	vst v63  }
0x46: {  	_ =	swait.ge [sflag:s10], $0x4400  }
0x47: {  	[sflag:s10] =	ssyncset.done $0x0  }
0x48: {  	s30 =	sadd.s32 $0x80, s22;
	[sflag:s10] =	ssyncadd.s32 $0xFFFFBC00  }
0x49: {  	[tilespmem:s15], [sflag:$0x1] =	stream.indirect.gather [hbm4b:s4+s14], $0x110, s30, s14, $0xb8;
	[tilespmem:$0x1FDA0] =	vst v63  }
0x4a: {  	_ =	swait.ge [sflag:s17], $0x4400  }
0x4b: {  	[sflag:s17] =	ssyncset.done $0x0  }
0x4c: {  	s31 =	sadd.s32 $0x1440, s22;
	[sflag:s17] =	ssyncadd.s32 $0xFFFFBC00  }
0x4d: {  	[spmem:s2] =	stream.indirect.scatter.add.f32 [tilespmem:s16], [sflag:$0x2], $0x110, s31, s14, $0xb8;
	[tilespmem:$0x1FDA0] =	vst v63  }
0x4e: {  	_ =	swait.ge [sflag:s10], $0x4400  }
0x4f: {  	[sflag:s10] =	ssyncset.done $0x0  }
0x50: {  	[sflag:s10] =	ssyncadd.s32 $0xFFFFBC00  }
0x51: {  	[tilespmem:s16], [sflag:$0x1] =	stream.indirect.gather [hbm4b:s4+s14], $0x110, s18, s14, $0xb8;
	[tilespmem:$0x1FDA0] =	vst v63  }
0x52: {  	_ =	swait.ge [sflag:s17], $0x4400  }
0x53: {  	[sflag:s17] =	ssyncset.done $0x0  }
0x54: {  	[sflag:s17] =	ssyncadd.s32 $0xFFFFBC00  }
0x55: {  	[spmem:s2] =	stream.indirect.scatter.add.f32 [tilespmem:s15], [sflag:$0x2], $0x110, s19, s14, $0xb8;
	[tilespmem:$0x1FDA0] =	vst v63  }
0x56: {  	_ =	swait.ge [sflag:s10], $0x4400  }
0x57: {  	[sflag:s10] =	ssyncset.done $0x0  }
0x58: {  	[sflag:s10] =	ssyncadd.s32 $0xFFFFBC00  }
0x59: {  	[tilespmem:s15], [sflag:$0x1] =	stream.indirect.gather [hbm4b:s4+s14], $0x110, s3, s14, $0xb8;
	[tilespmem:$0x1FDA0] =	vst v63  }
0x5a: {  	_ =	swait.ge [sflag:s17], $0x4400  }
0x5b: {  	[sflag:s17] =	ssyncset.done $0x0  }
0x5c: {  	[sflag:s17] =	ssyncadd.s32 $0xFFFFBC00  }
0x5d: {  	[spmem:s2] =	stream.indirect.scatter.add.f32 [tilespmem:s16], [sflag:$0x2], $0x110, s20, s14, $0xb8;
	[tilespmem:$0x1FDA0] =	vst v63  }
0x5e: {  	_ =	swait.ge [sflag:s10], $0x4400  }
0x5f: {  	[sflag:s10] =	ssyncset.done $0x0  }
0x60: {  	[sflag:s10] =	ssyncadd.s32 $0xFFFFBC00  }
0x61: {  	_ =	swait.ge [sflag:s17], $0x4400  }
0x62: {  	s21 =	sadd.s32 $0x1, s21;
	[sflag:s17] =	ssyncset.done $0x0  }
0x63: {  	p0 =	sne.s32 s21, s9;
	[sflag:s17] =	ssyncadd.s32 $0xFFFFBC00  }
.Ltmp1:
0x64: {  	[bflag:$0x0] =	sbarrier.arrive $0xFFFF;
	(pc) =	sbr.rel @p0 .LBB2_1-.Ltmp1, $4  }
0x65: {  	[hbm:s8], [sflag:s12] =	dma.local [spmem:s13], $0x29B4  }
0x66: {  	_ =	swait.ge [sflag:s10], $0x29B4  }
0x67: {  	[sflag:s10] =	ssyncset.done $0x0  }
0x68: {  	[sflag:s10] =	ssyncadd.s32 $0xFFFFD64C  }
0x69: {  	_ =	sfence.sel $0x180000  }
0x6a: {  	[bflag:$0x0] =	sbarrier.arrive $0xFFFF  }
0x6b: {  	p0 =	sne.s32 s0, $0x0;
	_ =	strace $0x90000047  }
0x6c: {  	s0 =	sadd.s32 @!p0 $0x100000, s1;
	[bflag:$0x2] =	sbarrier.arrive $0xFFFF  }
0x6d: {  	[sflag:s0] =	ssyncadd.tile.s32 @!p0 $0x1;
	_ =	shalt  }
.Lfunc_end2:
_tile_overlayer_lowered:
.L_overlay_start_2:
0x6e: {  	(tag) =	ssettag $0x2  }
0x6f: {  	s0 =	rddreg [dreg:$0x0];
	s2 =	stileid.u32  }
0x70: {  	s1 =	rddreg [dreg:$0x1];
	p0 =	sne.s32 s2, $0x0  }
0x71: {  	s3 =	rddreg [dreg:$0x2];
	[bflag:$0x3] =	sbarrier.arrive $0xFFFF;
	s2 =	simm.s32 @!p0 $0x1C02  }
0x72: {  	[timem:s3], [sflag:s2] =	dma.local @!p0 [hbm:s0], s1  }
0x73: {  	s0 =	simm.s32 @!p0 $0x2  }
0x74: {  	_ =	swait.ge @!p0 [sflag:s0], s1  }
0x75: {  	s1 =	ssub.s32 @!p0 $0x0, s1;
	[sflag:s0] =	ssyncset.done @!p0 $0x0  }
0x76: {  	[sflag:s0] =	ssyncadd.s32 @!p0 s1  }
0x77: {  	[bflag:$0x3] =	sbarrier.arrive $0xFFFF  }
0x78: {  	_ =	shalt  }

</sc_bundles>
